<compile_context>
chip_gen: v7x
topology: tpu7x:2x2x1
jax: 0.10.2.dev20260603
libtpu: 0.0.44.dev20260713+nightly
codegen_flags: <defaults>
</compile_context>

<pallas_src>
import functools

import jax
import jax.numpy as jnp
from jax import lax
from jax.experimental import pallas as pl
from jax.experimental.pallas import tpu as pltpu
from jax.experimental.pallas import tpu_sc as plsc

NUM_CORES = 2
NUM_SUBCORES = 16
NUM_WORKERS = NUM_CORES * NUM_SUBCORES
CHUNK = 128
CPG = 2


@functools.lru_cache(maxsize=None)
def _build(batch: int, seq: int, d: int):
    total = batch * seq
    colw = batch // NUM_WORKERS
    split = colw // CHUNK
    nchunk = seq * split
    ngroup = nchunk // CPG
    assert split * CHUNK == colw and ngroup * CPG == nchunk and ngroup >= 4

    @functools.partial(
        pl.kernel,
        mesh=plsc.VectorSubcoreMesh(core_axis_name="c", subcore_axis_name="s"),
        out_type=jax.ShapeDtypeStruct((total, d), jnp.float32),
        scratch_types=[
            pltpu.VMEM((seq, colw), jnp.int32),
        ]
        + [pltpu.VMEM((CHUNK, d), jnp.float32)] * (2 * CPG)
        + [pltpu.SemaphoreType.DMA] * (4 * CPG),
    )
    def emb_kernel(xt_hbm, table_hbm, out_hbm, idx_v, *scratch):
        bufs = scratch[: 2 * CPG]
        gsems = scratch[2 * CPG : 4 * CPG]
        osems = scratch[4 * CPG :]
        pair0 = tuple(range(CPG))
        pair1 = tuple(range(CPG, 2 * CPG))

        wid = lax.axis_index("s") * NUM_CORES + lax.axis_index("c")
        col0 = wid * colw
        pltpu.sync_copy(xt_hbm.at[:, pl.ds(col0, colw)], idx_v)

        def fire_gather(c, b):
            s, off = c // split, (c % split) * CHUNK
            pltpu.async_copy(
                table_hbm.at[idx_v.at[s, pl.ds(off, CHUNK)]], bufs[b], gsems[b]
            )

        def wait_gather(b):
            pltpu.make_async_copy(
                table_hbm.at[idx_v.at[0, pl.ds(0, CHUNK)]], bufs[b], gsems[b]
            ).wait()

        def fire_out(c, b):
            s, off = c // split, (c % split) * CHUNK
            pltpu.async_copy(
                bufs[b],
                out_hbm.at[pl.ds(s * batch + col0 + off, CHUNK)],
                osems[b],
            )

        def wait_out(b):
            pltpu.make_async_copy(
                bufs[b], out_hbm.at[pl.ds(col0, CHUNK)], osems[b]
            ).wait()

        def phase(g, cur, nxt, first=False, last=False):
            for b in cur:
                wait_gather(b)
            if not first:
                for b in nxt:
                    wait_out(b)
            if not last:
                for i, b in enumerate(nxt):
                    fire_gather((g + 1) * CPG + i, b)
            for i, b in enumerate(cur):
                fire_out(g * CPG + i, b)

        for i, b in enumerate(pair0):
            fire_gather(i, b)
        phase(0, pair0, pair1, first=True)

        if ngroup % 2 == 0:
            @pl.loop(1, ngroup - 1, step=2)
            def _(g):
                phase(g, pair1, pair0)
                phase(g + 1, pair0, pair1)

            phase(ngroup - 1, pair1, pair0, last=True)
            for b in pair1:
                wait_out(b)
        else:
            @pl.loop(1, ngroup - 2, step=2)
            def _(g):
                phase(g, pair1, pair0)
                phase(g + 1, pair0, pair1)

            phase(ngroup - 2, pair1, pair0)
            phase(ngroup - 1, pair0, pair1, last=True)
            for b in pair0:
                wait_out(b)

    return emb_kernel


def kernel(x, table):
    batch, seq = x.shape
    d = table.shape[1]
    xt = x.astype(jnp.int32).T
    out = _build(batch, seq, d)(xt, table)
    return out.reshape(seq, batch, d).transpose(1, 0, 2)

# --- scband reference (transcript-rebuilt; emitter-appended) ---
"""Pipeline reference for scband-embedder-15607911154335 (READ-ONLY COPY).

The authoritative reference and input builder live on the scoring server;
editing this copy changes nothing except your own understanding.
"""

import jax, jax.numpy as jnp
import numpy as np

NUM_CLASS = 100000
D_MODEL = 128
PAD_ID = 0


def setup_inputs(seed: int = 0) -> dict:
    key = jax.random.key(seed)
    k_idx, k_tab = jax.random.split(key)
    x = jax.random.randint(k_idx, (4096, 50), 0, NUM_CLASS, dtype=jnp.int64 if jax.config.jax_enable_x64 else jnp.int32)
    table = jax.random.normal(k_tab, (NUM_CLASS, D_MODEL), dtype=jnp.float32) * 0.02
    # padding_idx row is zero-initialized in torch nn.Embedding
    table = table.at[PAD_ID].set(0.0)
    return {"x": x, "table": table}


def reference(x, table):
    # nn.Embedding with padding_idx: the pad row is always zero
    t = table.at[PAD_ID].set(0.0)
    return jnp.take(t, x, axis=0)

if __name__ == "__main__":
    import jax
    _d = setup_inputs()
    print(jax.jit(kernel)(*tuple(_d.values())))

</pallas_src>

<mosaic_0001>
#map = affine_map<(d0, d1) -> (0, 0)>
module attributes {stable_mosaic.version = 14 : i64} {
  func.func @emb_kernel(%arg0: i32, %arg1: i32, %arg2: memref<50x4096xi32, #tpu.memory_space<hbm>>, %arg3: memref<100000x128xf32, #tpu.memory_space<hbm>>, %arg4: memref<204800x128xf32, #tpu.memory_space<hbm>>, %arg5: memref<50x128xi32, #tpu.memory_space<vmem>>, %arg6: memref<128x128xf32, #tpu.memory_space<vmem>>, %arg7: memref<128x128xf32, #tpu.memory_space<vmem>>, %arg8: memref<128x128xf32, #tpu.memory_space<vmem>>, %arg9: memref<128x128xf32, #tpu.memory_space<vmem>>, %arg10: memref<!tpu.dma_semaphore, #tpu.memory_space<semaphore_mem>>, %arg11: memref<!tpu.dma_semaphore, #tpu.memory_space<semaphore_mem>>, %arg12: memref<!tpu.dma_semaphore, #tpu.memory_space<semaphore_mem>>, %arg13: memref<!tpu.dma_semaphore, #tpu.memory_space<semaphore_mem>>, %arg14: memref<!tpu.dma_semaphore, #tpu.memory_space<semaphore_mem>>, %arg15: memref<!tpu.dma_semaphore, #tpu.memory_space<semaphore_mem>>, %arg16: memref<!tpu.dma_semaphore, #tpu.memory_space<semaphore_mem>>, %arg17: memref<!tpu.dma_semaphore, #tpu.memory_space<semaphore_mem>>) attributes {dimension_semantics = [#tpu.dimension_semantics<core_parallel>, #tpu.dimension_semantics<subcore_parallel>], iteration_bounds = array<i64: 2, 16>, scalar_prefetch = 0 : i64, scratch_operands = 13 : i64, tpu.core_type = #tpu.core_type<sc_vector_subcore>, window_params = [{transform_indices = #map}, {transform_indices = #map}, {transform_indices = #map}]} {
    %mul3A = arith.constant 2 : i32
    %mul3A_0 = arith.muli %arg1, %mul3A : i32
    %add3A = arith.addi %mul3A_0, %arg0 : i32
    %mul3A_1 = arith.constant 128 : i32
    %mul3A_2 = arith.muli %add3A, %mul3A_1 : i32
    "tpu.region"() ({
      %run_scoped3A = tpu.sem_alloc : memref<!tpu.dma_semaphore, #tpu.memory_space<semaphore_mem>>
      %dma_start3A_161 = arith.constant 0 : i32
      %dma_start3A_162 = tpu.memref_slice %arg2[%dma_start3A_161, %mul3A_2] : memref<50x4096xi32, #tpu.memory_space<hbm>> -> memref<50x128xi32, #tpu.memory_space<hbm>>
      %dma_start3A_163 = arith.constant 0 : i32
      %dma_start3A_164 = tpu.memref_slice %arg2[%dma_start3A_163, %mul3A_2] : memref<50x4096xi32, #tpu.memory_space<hbm>> -> memref<50x128xi32, #tpu.memory_space<hbm>>
      tpu.enqueue_dma source(%dma_start3A_164 : memref<50x128xi32, #tpu.memory_space<hbm>>) target(%arg5 : memref<50x128xi32, #tpu.memory_space<vmem>>) target_semaphore(%run_scoped3A : memref<!tpu.dma_semaphore, #tpu.memory_space<semaphore_mem>>)
      %dma_wait3A_165 = arith.constant 0 : i32
      %dma_wait3A_166 = tpu.memref_slice %arg2[%dma_wait3A_165, %mul3A_2] : memref<50x4096xi32, #tpu.memory_space<hbm>> -> memref<50x128xi32, #tpu.memory_space<hbm>>
      %dma_wait3A_167 = arith.constant 0 : i32
      %dma_wait3A_168 = tpu.memref_slice %arg2[%dma_wait3A_167, %mul3A_2] : memref<50x4096xi32, #tpu.memory_space<hbm>> -> memref<50x128xi32, #tpu.memory_space<hbm>>
      tpu.wait_dma2 semaphore(%run_scoped3A : memref<!tpu.dma_semaphore, #tpu.memory_space<semaphore_mem>>) src(%dma_wait3A_168 : memref<50x128xi32, #tpu.memory_space<hbm>>) dst(%arg5 : memref<50x128xi32, #tpu.memory_space<vmem>>)
      tpu.yield
    }) : () -> ()
    %dma_start3A = arith.constant 0 : i32
    %dma_start3A_3 = arith.constant 0 : i32
    %dma_start3A_4 = tpu.memref_slice %arg5[%dma_start3A, %dma_start3A_3] : memref<50x128xi32, #tpu.memory_space<vmem>> -> memref<1x128xi32, #tpu.memory_space<vmem>>
    %dma_start3A_5 = tpu.memref_squeeze %dma_start3A_4 : memref<1x128xi32, #tpu.memory_space<vmem>> -> memref<128xi32, #tpu.memory_space<vmem>>
    %dma_start3A_6 = arith.constant 0 : i32
    %dma_start3A_7 = arith.constant 0 : i32
    %dma_start3A_8 = tpu.memref_slice %arg3[%dma_start3A_6, %dma_start3A_7] : memref<100000x128xf32, #tpu.memory_space<hbm>> -> memref<100000x128xf32, #tpu.memory_space<hbm>>
    tpu.enqueue_indirect_dma source(%dma_start3A_8 : memref<100000x128xf32, #tpu.memory_space<hbm>>) target(%arg6 : memref<128x128xf32, #tpu.memory_space<vmem>>) offsets(%dma_start3A_5 : memref<128xi32, #tpu.memory_space<vmem>>) semaphore(%arg10 : memref<!tpu.dma_semaphore, #tpu.memory_space<semaphore_mem>>)
    %dma_start3A_9 = arith.constant 1 : i32
    %dma_start3A_10 = arith.constant 0 : i32
    %dma_start3A_11 = tpu.memref_slice %arg5[%dma_start3A_9, %dma_start3A_10] : memref<50x128xi32, #tpu.memory_space<vmem>> -> memref<1x128xi32, #tpu.memory_space<vmem>>
    %dma_start3A_12 = tpu.memref_squeeze %dma_start3A_11 : memref<1x128xi32, #tpu.memory_space<vmem>> -> memref<128xi32, #tpu.memory_space<vmem>>
    %dma_start3A_13 = arith.constant 0 : i32
    %dma_start3A_14 = arith.constant 0 : i32
    %dma_start3A_15 = tpu.memref_slice %arg3[%dma_start3A_13, %dma_start3A_14] : memref<100000x128xf32, #tpu.memory_space<hbm>> -> memref<100000x128xf32, #tpu.memory_space<hbm>>
    tpu.enqueue_indirect_dma source(%dma_start3A_15 : memref<100000x128xf32, #tpu.memory_space<hbm>>) target(%arg7 : memref<128x128xf32, #tpu.memory_space<vmem>>) offsets(%dma_start3A_12 : memref<128xi32, #tpu.memory_space<vmem>>) semaphore(%arg11 : memref<!tpu.dma_semaphore, #tpu.memory_space<semaphore_mem>>)
    %dma_wait3A = arith.constant 0 : i32
    %dma_wait3A_16 = arith.constant 0 : i32
    %dma_wait3A_17 = tpu.memref_slice %arg5[%dma_wait3A, %dma_wait3A_16] : memref<50x128xi32, #tpu.memory_space<vmem>> -> memref<1x128xi32, #tpu.memory_space<vmem>>
    %dma_wait3A_18 = tpu.memref_squeeze %dma_wait3A_17 : memref<1x128xi32, #tpu.memory_space<vmem>> -> memref<128xi32, #tpu.memory_space<vmem>>
    %dma_wait3A_19 = arith.constant 0 : i32
    %dma_wait3A_20 = arith.constant 0 : i32
    %dma_wait3A_21 = tpu.memref_slice %arg3[%dma_wait3A_19, %dma_wait3A_20] : memref<100000x128xf32, #tpu.memory_space<hbm>> -> memref<100000x128xf32, #tpu.memory_space<hbm>>
    tpu.wait_indirect_dma semaphore(%arg10 : memref<!tpu.dma_semaphore, #tpu.memory_space<semaphore_mem>>) src(%dma_wait3A_21 : memref<100000x128xf32, #tpu.memory_space<hbm>>) dst(%arg6 : memref<128x128xf32, #tpu.memory_space<vmem>>)
    %dma_wait3A_22 = arith.constant 0 : i32
    %dma_wait3A_23 = arith.constant 0 : i32
    %dma_wait3A_24 = tpu.memref_slice %arg5[%dma_wait3A_22, %dma_wait3A_23] : memref<50x128xi32, #tpu.memory_space<vmem>> -> memref<1x128xi32, #tpu.memory_space<vmem>>
    %dma_wait3A_25 = tpu.memref_squeeze %dma_wait3A_24 : memref<1x128xi32, #tpu.memory_space<vmem>> -> memref<128xi32, #tpu.memory_space<vmem>>
    %dma_wait3A_26 = arith.constant 0 : i32
    %dma_wait3A_27 = arith.constant 0 : i32
    %dma_wait3A_28 = tpu.memref_slice %arg3[%dma_wait3A_26, %dma_wait3A_27] : memref<100000x128xf32, #tpu.memory_space<hbm>> -> memref<100000x128xf32, #tpu.memory_space<hbm>>
    tpu.wait_indirect_dma semaphore(%arg11 : memref<!tpu.dma_semaphore, #tpu.memory_space<semaphore_mem>>) src(%dma_wait3A_28 : memref<100000x128xf32, #tpu.memory_space<hbm>>) dst(%arg7 : memref<128x128xf32, #tpu.memory_space<vmem>>)
    %dma_start3A_29 = arith.constant 2 : i32
    %dma_start3A_30 = arith.constant 0 : i32
    %dma_start3A_31 = tpu.memref_slice %arg5[%dma_start3A_29, %dma_start3A_30] : memref<50x128xi32, #tpu.memory_space<vmem>> -> memref<1x128xi32, #tpu.memory_space<vmem>>
    %dma_start3A_32 = tpu.memref_squeeze %dma_start3A_31 : memref<1x128xi32, #tpu.memory_space<vmem>> -> memref<128xi32, #tpu.memory_space<vmem>>
    %dma_start3A_33 = arith.constant 0 : i32
    %dma_start3A_34 = arith.constant 0 : i32
    %dma_start3A_35 = tpu.memref_slice %arg3[%dma_start3A_33, %dma_start3A_34] : memref<100000x128xf32, #tpu.memory_space<hbm>> -> memref<100000x128xf32, #tpu.memory_space<hbm>>
    tpu.enqueue_indirect_dma source(%dma_start3A_35 : memref<100000x128xf32, #tpu.memory_space<hbm>>) target(%arg8 : memref<128x128xf32, #tpu.memory_space<vmem>>) offsets(%dma_start3A_32 : memref<128xi32, #tpu.memory_space<vmem>>) semaphore(%arg12 : memref<!tpu.dma_semaphore, #tpu.memory_space<semaphore_mem>>)
    %dma_start3A_36 = arith.constant 3 : i32
    %dma_start3A_37 = arith.constant 0 : i32
    %dma_start3A_38 = tpu.memref_slice %arg5[%dma_start3A_36, %dma_start3A_37] : memref<50x128xi32, #tpu.memory_space<vmem>> -> memref<1x128xi32, #tpu.memory_space<vmem>>
    %dma_start3A_39 = tpu.memref_squeeze %dma_start3A_38 : memref<1x128xi32, #tpu.memory_space<vmem>> -> memref<128xi32, #tpu.memory_space<vmem>>
    %dma_start3A_40 = arith.constant 0 : i32
    %dma_start3A_41 = arith.constant 0 : i32
    %dma_start3A_42 = tpu.memref_slice %arg3[%dma_start3A_40, %dma_start3A_41] : memref<100000x128xf32, #tpu.memory_space<hbm>> -> memref<100000x128xf32, #tpu.memory_space<hbm>>
    tpu.enqueue_indirect_dma source(%dma_start3A_42 : memref<100000x128xf32, #tpu.memory_space<hbm>>) target(%arg9 : memref<128x128xf32, #tpu.memory_space<vmem>>) offsets(%dma_start3A_39 : memref<128xi32, #tpu.memory_space<vmem>>) semaphore(%arg13 : memref<!tpu.dma_semaphore, #tpu.memory_space<semaphore_mem>>)
    %add3A_43 = arith.constant 0 : i32
    %add3A_44 = arith.addi %add3A_43, %mul3A_2 : i32
    %add3A_45 = arith.constant 0 : i32
    %add3A_46 = arith.addi %add3A_44, %add3A_45 : i32
    %dma_start3A_47 = arith.constant 0 : i32
    %dma_start3A_48 = tpu.memref_slice %arg4[%add3A_46, %dma_start3A_47] : memref<204800x128xf32, #tpu.memory_space<hbm>> -> memref<128x128xf32, #tpu.memory_space<hbm>>
    %dma_start3A_49 = arith.constant 0 : i32
    %dma_start3A_50 = tpu.memref_slice %arg4[%add3A_46, %dma_start3A_49] : memref<204800x128xf32, #tpu.memory_space<hbm>> -> memref<128x128xf32, #tpu.memory_space<hbm>>
    tpu.enqueue_dma source(%arg6 : memref<128x128xf32, #tpu.memory_space<vmem>>) target(%dma_start3A_50 : memref<128x128xf32, #tpu.memory_space<hbm>>) target_semaphore(%arg14 : memref<!tpu.dma_semaphore, #tpu.memory_space<semaphore_mem>>)
    %add3A_51 = arith.constant 4096 : i32
    %add3A_52 = arith.addi %add3A_51, %mul3A_2 : i32
    %add3A_53 = arith.constant 0 : i32
    %add3A_54 = arith.addi %add3A_52, %add3A_53 : i32
    %dma_start3A_55 = arith.constant 0 : i32
    %dma_start3A_56 = tpu.memref_slice %arg4[%add3A_54, %dma_start3A_55] : memref<204800x128xf32, #tpu.memory_space<hbm>> -> memref<128x128xf32, #tpu.memory_space<hbm>>
    %dma_start3A_57 = arith.constant 0 : i32
    %dma_start3A_58 = tpu.memref_slice %arg4[%add3A_54, %dma_start3A_57] : memref<204800x128xf32, #tpu.memory_space<hbm>> -> memref<128x128xf32, #tpu.memory_space<hbm>>
    tpu.enqueue_dma source(%arg7 : memref<128x128xf32, #tpu.memory_space<vmem>>) target(%dma_start3A_58 : memref<128x128xf32, #tpu.memory_space<hbm>>) target_semaphore(%arg15 : memref<!tpu.dma_semaphore, #tpu.memory_space<semaphore_mem>>)
    %scan3A = arith.constant 0 : i32
    %scan3A_59 = arith.constant 11 : i32
    %scan3A_60 = arith.addi %scan3A, %scan3A_59 : i32
    %scan3A_61 = arith.constant 1 : i32
    scf.for %scan3A_161 = %scan3A to %scan3A_60 step %scan3A_61  : i32 {
      %mul3A_162 = arith.constant 2 : i32
      %mul3A_163 = arith.muli %scan3A_161, %mul3A_162 : i32
      %add3A_164 = arith.constant 1 : i32
      %add3A_165 = arith.addi %add3A_164, %mul3A_163 : i32
      %dma_wait3A_166 = arith.constant 0 : i32
      %dma_wait3A_167 = arith.constant 0 : i32
      %dma_wait3A_168 = tpu.memref_slice %arg5[%dma_wait3A_166, %dma_wait3A_167] : memref<50x128xi32, #tpu.memory_space<vmem>> -> memref<1x128xi32, #tpu.memory_space<vmem>>
      %dma_wait3A_169 = tpu.memref_squeeze %dma_wait3A_168 : memref<1x128xi32, #tpu.memory_space<vmem>> -> memref<128xi32, #tpu.memory_space<vmem>>
      %dma_wait3A_170 = arith.constant 0 : i32
      %dma_wait3A_171 = arith.constant 0 : i32
      %dma_wait3A_172 = tpu.memref_slice %arg3[%dma_wait3A_170, %dma_wait3A_171] : memref<100000x128xf32, #tpu.memory_space<hbm>> -> memref<100000x128xf32, #tpu.memory_space<hbm>>
      tpu.wait_indirect_dma semaphore(%arg12 : memref<!tpu.dma_semaphore, #tpu.memory_space<semaphore_mem>>) src(%dma_wait3A_172 : memref<100000x128xf32, #tpu.memory_space<hbm>>) dst(%arg8 : memref<128x128xf32, #tpu.memory_space<vmem>>)
      %dma_wait3A_173 = arith.constant 0 : i32
      %dma_wait3A_174 = arith.constant 0 : i32
      %dma_wait3A_175 = tpu.memref_slice %arg5[%dma_wait3A_173, %dma_wait3A_174] : memref<50x128xi32, #tpu.memory_space<vmem>> -> memref<1x128xi32, #tpu.memory_space<vmem>>
      %dma_wait3A_176 = tpu.memref_squeeze %dma_wait3A_175 : memref<1x128xi32, #tpu.memory_space<vmem>> -> memref<128xi32, #tpu.memory_space<vmem>>
      %dma_wait3A_177 = arith.constant 0 : i32
      %dma_wait3A_178 = arith.constant 0 : i32
      %dma_wait3A_179 = tpu.memref_slice %arg3[%dma_wait3A_177, %dma_wait3A_178] : memref<100000x128xf32, #tpu.memory_space<hbm>> -> memref<100000x128xf32, #tpu.memory_space<hbm>>
      tpu.wait_indirect_dma semaphore(%arg13 : memref<!tpu.dma_semaphore, #tpu.memory_space<semaphore_mem>>) src(%dma_wait3A_179 : memref<100000x128xf32, #tpu.memory_space<hbm>>) dst(%arg9 : memref<128x128xf32, #tpu.memory_space<vmem>>)
      %dma_wait3A_180 = arith.constant 0 : i32
      %dma_wait3A_181 = tpu.memref_slice %arg4[%mul3A_2, %dma_wait3A_180] : memref<204800x128xf32, #tpu.memory_space<hbm>> -> memref<128x128xf32, #tpu.memory_space<hbm>>
      %dma_wait3A_182 = arith.constant 0 : i32
      %dma_wait3A_183 = tpu.memref_slice %arg4[%mul3A_2, %dma_wait3A_182] : memref<204800x128xf32, #tpu.memory_space<hbm>> -> memref<128x128xf32, #tpu.memory_space<hbm>>
      tpu.wait_dma2 semaphore(%arg14 : memref<!tpu.dma_semaphore, #tpu.memory_space<semaphore_mem>>) src(%arg6 : memref<128x128xf32, #tpu.memory_space<vmem>>) dst(%dma_wait3A_183 : memref<128x128xf32, #tpu.memory_space<hbm>>)
      %dma_wait3A_184 = arith.constant 0 : i32
      %dma_wait3A_185 = tpu.memref_slice %arg4[%mul3A_2, %dma_wait3A_184] : memref<204800x128xf32, #tpu.memory_space<hbm>> -> memref<128x128xf32, #tpu.memory_space<hbm>>
      %dma_wait3A_186 = arith.constant 0 : i32
      %dma_wait3A_187 = tpu.memref_slice %arg4[%mul3A_2, %dma_wait3A_186] : memref<204800x128xf32, #tpu.memory_space<hbm>> -> memref<128x128xf32, #tpu.memory_space<hbm>>
      tpu.wait_dma2 semaphore(%arg15 : memref<!tpu.dma_semaphore, #tpu.memory_space<semaphore_mem>>) src(%arg7 : memref<128x128xf32, #tpu.memory_space<vmem>>) dst(%dma_wait3A_187 : memref<128x128xf32, #tpu.memory_space<hbm>>)
      %add3A_188 = arith.constant 1 : i32
      %add3A_189 = arith.addi %add3A_165, %add3A_188 : i32
      %mul3A_190 = arith.constant 2 : i32
      %mul3A_191 = arith.muli %add3A_189, %mul3A_190 : i32
      %add3A_192 = arith.constant 0 : i32
      %add3A_193 = arith.addi %mul3A_191, %add3A_192 : i32
      %jit3A = arith.constant 1 : i32
      %div3A = arith.divsi %add3A_193, %jit3A : i32
      %sign3A = arith.constant 0 : i32
      %sign3A_194 = arith.cmpi sgt, %add3A_193, %sign3A : i32
      %sign3A_195 = arith.extui %sign3A_194 : i1 to i32
      %sign3A_196 = arith.constant 0 : i32
      %sign3A_197 = arith.cmpi slt, %add3A_193, %sign3A_196 : i32
      %sign3A_198 = arith.extui %sign3A_197 : i1 to i32
      %sign3A_199 = arith.subi %sign3A_195, %sign3A_198 : i32
      %sign3A_200 = arith.constant 0 : i32
      %sign3A_201 = arith.cmpi sgt, %jit3A, %sign3A_200 : i32
      %sign3A_202 = arith.extui %sign3A_201 : i1 to i32
      %sign3A_203 = arith.constant 0 : i32
      %sign3A_204 = arith.cmpi slt, %jit3A, %sign3A_203 : i32
      %sign3A_205 = arith.extui %sign3A_204 : i1 to i32
      %sign3A_206 = arith.subi %sign3A_202, %sign3A_205 : i32
      %ne3A = arith.cmpi ne, %sign3A_199, %sign3A_206 : i32
      %rem3A = arith.remsi %add3A_193, %jit3A : i32
      %ne3A_207 = arith.constant 0 : i32
      %ne3A_208 = arith.cmpi ne, %rem3A, %ne3A_207 : i32
      %and3A = arith.andi %ne3A, %ne3A_208 : i1
      %sub3A = arith.constant 1 : i32
      %sub3A_209 = arith.subi %div3A, %sub3A : i32
      %select_n3A = arith.select %and3A, %sub3A_209, %div3A : i32
      %jit3A_210 = arith.constant 1 : i32
      %eq3A = arith.constant 0 : i32
      %eq3A_211 = arith.cmpi eq, %jit3A_210, %eq3A : i32
      %jit3A_212 = arith.constant 1 : i32
      %select_n3A_213 = arith.select %eq3A_211, %jit3A_212, %jit3A_210 : i32
      %rem3A_214 = arith.remsi %add3A_193, %select_n3A_213 : i32
      %ne3A_215 = arith.constant 0 : i32
      %ne3A_216 = arith.cmpi ne, %rem3A_214, %ne3A_215 : i32
      %lt3A = arith.constant 0 : i32
      %lt3A_217 = arith.cmpi slt, %rem3A_214, %lt3A : i32
      %lt3A_218 = arith.constant 0 : i32
      %lt3A_219 = arith.cmpi slt, %select_n3A_213, %lt3A_218 : i32
      %ne3A_220 = arith.xori %lt3A_217, %lt3A_219 : i1
      %and3A_221 = arith.andi %ne3A_220, %ne3A_216 : i1
      %add3A_222 = arith.addi %rem3A_214, %select_n3A_213 : i32
      %select_n3A_223 = arith.select %and3A_221, %add3A_222, %rem3A_214 : i32
      %mul3A_224 = arith.constant 128 : i32
      %mul3A_225 = arith.muli %select_n3A_223, %mul3A_224 : i32
      %dma_start3A_226 = tpu.memref_slice %arg5[%select_n3A, %mul3A_225] : memref<50x128xi32, #tpu.memory_space<vmem>> -> memref<1x128xi32, #tpu.memory_space<vmem>>
      %dma_start3A_227 = tpu.memref_squeeze %dma_start3A_226 : memref<1x128xi32, #tpu.memory_space<vmem>> -> memref<128xi32, #tpu.memory_space<vmem>>
      %dma_start3A_228 = arith.constant 0 : i32
      %dma_start3A_229 = arith.constant 0 : i32
      %dma_start3A_230 = tpu.memref_slice %arg3[%dma_start3A_228, %dma_start3A_229] : memref<100000x128xf32, #tpu.memory_space<hbm>> -> memref<100000x128xf32, #tpu.memory_space<hbm>>
      tpu.enqueue_indirect_dma source(%dma_start3A_230 : memref<100000x128xf32, #tpu.memory_space<hbm>>) target(%arg6 : memref<128x128xf32, #tpu.memory_space<vmem>>) offsets(%dma_start3A_227 : memref<128xi32, #tpu.memory_space<vmem>>) semaphore(%arg10 : memref<!tpu.dma_semaphore, #tpu.memory_space<semaphore_mem>>)
      %add3A_231 = arith.constant 1 : i32
      %add3A_232 = arith.addi %add3A_165, %add3A_231 : i32
      %mul3A_233 = arith.constant 2 : i32
      %mul3A_234 = arith.muli %add3A_232, %mul3A_233 : i32
      %add3A_235 = arith.constant 1 : i32
      %add3A_236 = arith.addi %mul3A_234, %add3A_235 : i32
      %jit3A_237 = arith.constant 1 : i32
      %div3A_238 = arith.divsi %add3A_236, %jit3A_237 : i32
      %sign3A_239 = arith.constant 0 : i32
      %sign3A_240 = arith.cmpi sgt, %add3A_236, %sign3A_239 : i32
      %sign3A_241 = arith.extui %sign3A_240 : i1 to i32
      %sign3A_242 = arith.constant 0 : i32
      %sign3A_243 = arith.cmpi slt, %add3A_236, %sign3A_242 : i32
      %sign3A_244 = arith.extui %sign3A_243 : i1 to i32
      %sign3A_245 = arith.subi %sign3A_241, %sign3A_244 : i32
      %sign3A_246 = arith.constant 0 : i32
      %sign3A_247 = arith.cmpi sgt, %jit3A_237, %sign3A_246 : i32
      %sign3A_248 = arith.extui %sign3A_247 : i1 to i32
      %sign3A_249 = arith.constant 0 : i32
      %sign3A_250 = arith.cmpi slt, %jit3A_237, %sign3A_249 : i32
      %sign3A_251 = arith.extui %sign3A_250 : i1 to i32
      %sign3A_252 = arith.subi %sign3A_248, %sign3A_251 : i32
      %ne3A_253 = arith.cmpi ne, %sign3A_245, %sign3A_252 : i32
      %rem3A_254 = arith.remsi %add3A_236, %jit3A_237 : i32
      %ne3A_255 = arith.constant 0 : i32
      %ne3A_256 = arith.cmpi ne, %rem3A_254, %ne3A_255 : i32
      %and3A_257 = arith.andi %ne3A_253, %ne3A_256 : i1
      %sub3A_258 = arith.constant 1 : i32
      %sub3A_259 = arith.subi %div3A_238, %sub3A_258 : i32
      %select_n3A_260 = arith.select %and3A_257, %sub3A_259, %div3A_238 : i32
      %jit3A_261 = arith.constant 1 : i32
      %eq3A_262 = arith.constant 0 : i32
      %eq3A_263 = arith.cmpi eq, %jit3A_261, %eq3A_262 : i32
      %jit3A_264 = arith.constant 1 : i32
      %select_n3A_265 = arith.select %eq3A_263, %jit3A_264, %jit3A_261 : i32
      %rem3A_266 = arith.remsi %add3A_236, %select_n3A_265 : i32
      %ne3A_267 = arith.constant 0 : i32
      %ne3A_268 = arith.cmpi ne, %rem3A_266, %ne3A_267 : i32
      %lt3A_269 = arith.constant 0 : i32
      %lt3A_270 = arith.cmpi slt, %rem3A_266, %lt3A_269 : i32
      %lt3A_271 = arith.constant 0 : i32
      %lt3A_272 = arith.cmpi slt, %select_n3A_265, %lt3A_271 : i32
      %ne3A_273 = arith.xori %lt3A_270, %lt3A_272 : i1
      %and3A_274 = arith.andi %ne3A_273, %ne3A_268 : i1
      %add3A_275 = arith.addi %rem3A_266, %select_n3A_265 : i32
      %select_n3A_276 = arith.select %and3A_274, %add3A_275, %rem3A_266 : i32
      %mul3A_277 = arith.constant 128 : i32
      %mul3A_278 = arith.muli %select_n3A_276, %mul3A_277 : i32
      %dma_start3A_279 = tpu.memref_slice %arg5[%select_n3A_260, %mul3A_278] : memref<50x128xi32, #tpu.memory_space<vmem>> -> memref<1x128xi32, #tpu.memory_space<vmem>>
      %dma_start3A_280 = tpu.memref_squeeze %dma_start3A_279 : memref<1x128xi32, #tpu.memory_space<vmem>> -> memref<128xi32, #tpu.memory_space<vmem>>
      %dma_start3A_281 = arith.constant 0 : i32
      %dma_start3A_282 = arith.constant 0 : i32
      %dma_start3A_283 = tpu.memref_slice %arg3[%dma_start3A_281, %dma_start3A_282] : memref<100000x128xf32, #tpu.memory_space<hbm>> -> memref<100000x128xf32, #tpu.memory_space<hbm>>
      tpu.enqueue_indirect_dma source(%dma_start3A_283 : memref<100000x128xf32, #tpu.memory_space<hbm>>) target(%arg7 : memref<128x128xf32, #tpu.memory_space<vmem>>) offsets(%dma_start3A_280 : memref<128xi32, #tpu.memory_space<vmem>>) semaphore(%arg11 : memref<!tpu.dma_semaphore, #tpu.memory_space<semaphore_mem>>)
      %mul3A_284 = arith.constant 2 : i32
      %mul3A_285 = arith.muli %add3A_165, %mul3A_284 : i32
      %add3A_286 = arith.constant 0 : i32
      %add3A_287 = arith.addi %mul3A_285, %add3A_286 : i32
      %jit3A_288 = arith.constant 1 : i32
      %div3A_289 = arith.divsi %add3A_287, %jit3A_288 : i32
      %sign3A_290 = arith.constant 0 : i32
      %sign3A_291 = arith.cmpi sgt, %add3A_287, %sign3A_290 : i32
      %sign3A_292 = arith.extui %sign3A_291 : i1 to i32
      %sign3A_293 = arith.constant 0 : i32
      %sign3A_294 = arith.cmpi slt, %add3A_287, %sign3A_293 : i32
      %sign3A_295 = arith.extui %sign3A_294 : i1 to i32
      %sign3A_296 = arith.subi %sign3A_292, %sign3A_295 : i32
      %sign3A_297 = arith.constant 0 : i32
      %sign3A_298 = arith.cmpi sgt, %jit3A_288, %sign3A_297 : i32
      %sign3A_299 = arith.extui %sign3A_298 : i1 to i32
      %sign3A_300 = arith.constant 0 : i32
      %sign3A_301 = arith.cmpi slt, %jit3A_288, %sign3A_300 : i32
      %sign3A_302 = arith.extui %sign3A_301 : i1 to i32
      %sign3A_303 = arith.subi %sign3A_299, %sign3A_302 : i32
      %ne3A_304 = arith.cmpi ne, %sign3A_296, %sign3A_303 : i32
      %rem3A_305 = arith.remsi %add3A_287, %jit3A_288 : i32
      %ne3A_306 = arith.constant 0 : i32
      %ne3A_307 = arith.cmpi ne, %rem3A_305, %ne3A_306 : i32
      %and3A_308 = arith.andi %ne3A_304, %ne3A_307 : i1
      %sub3A_309 = arith.constant 1 : i32
      %sub3A_310 = arith.subi %div3A_289, %sub3A_309 : i32
      %select_n3A_311 = arith.select %and3A_308, %sub3A_310, %div3A_289 : i32
      %jit3A_312 = arith.constant 1 : i32
      %eq3A_313 = arith.constant 0 : i32
      %eq3A_314 = arith.cmpi eq, %jit3A_312, %eq3A_313 : i32
      %jit3A_315 = arith.constant 1 : i32
      %select_n3A_316 = arith.select %eq3A_314, %jit3A_315, %jit3A_312 : i32
      %rem3A_317 = arith.remsi %add3A_287, %select_n3A_316 : i32
      %ne3A_318 = arith.constant 0 : i32
      %ne3A_319 = arith.cmpi ne, %rem3A_317, %ne3A_318 : i32
      %lt3A_320 = arith.constant 0 : i32
      %lt3A_321 = arith.cmpi slt, %rem3A_317, %lt3A_320 : i32
      %lt3A_322 = arith.constant 0 : i32
      %lt3A_323 = arith.cmpi slt, %select_n3A_316, %lt3A_322 : i32
      %ne3A_324 = arith.xori %lt3A_321, %lt3A_323 : i1
      %and3A_325 = arith.andi %ne3A_324, %ne3A_319 : i1
      %add3A_326 = arith.addi %rem3A_317, %select_n3A_316 : i32
      %select_n3A_327 = arith.select %and3A_325, %add3A_326, %rem3A_317 : i32
      %mul3A_328 = arith.constant 128 : i32
      %mul3A_329 = arith.muli %select_n3A_327, %mul3A_328 : i32
      %mul3A_330 = arith.constant 4096 : i32
      %mul3A_331 = arith.muli %select_n3A_311, %mul3A_330 : i32
      %add3A_332 = arith.addi %mul3A_331, %mul3A_2 : i32
      %add3A_333 = arith.addi %add3A_332, %mul3A_329 : i32
      %dma_start3A_334 = arith.constant 0 : i32
      %dma_start3A_335 = tpu.memref_slice %arg4[%add3A_333, %dma_start3A_334] : memref<204800x128xf32, #tpu.memory_space<hbm>> -> memref<128x128xf32, #tpu.memory_space<hbm>>
      %dma_start3A_336 = arith.constant 0 : i32
      %dma_start3A_337 = tpu.memref_slice %arg4[%add3A_333, %dma_start3A_336] : memref<204800x128xf32, #tpu.memory_space<hbm>> -> memref<128x128xf32, #tpu.memory_space<hbm>>
      tpu.enqueue_dma source(%arg8 : memref<128x128xf32, #tpu.memory_space<vmem>>) target(%dma_start3A_337 : memref<128x128xf32, #tpu.memory_space<hbm>>) target_semaphore(%arg16 : memref<!tpu.dma_semaphore, #tpu.memory_space<semaphore_mem>>)
      %mul3A_338 = arith.constant 2 : i32
      %mul3A_339 = arith.muli %add3A_165, %mul3A_338 : i32
      %add3A_340 = arith.constant 1 : i32
      %add3A_341 = arith.addi %mul3A_339, %add3A_340 : i32
      %jit3A_342 = arith.constant 1 : i32
      %div3A_343 = arith.divsi %add3A_341, %jit3A_342 : i32
      %sign3A_344 = arith.constant 0 : i32
      %sign3A_345 = arith.cmpi sgt, %add3A_341, %sign3A_344 : i32
      %sign3A_346 = arith.extui %sign3A_345 : i1 to i32
      %sign3A_347 = arith.constant 0 : i32
      %sign3A_348 = arith.cmpi slt, %add3A_341, %sign3A_347 : i32
      %sign3A_349 = arith.extui %sign3A_348 : i1 to i32
      %sign3A_350 = arith.subi %sign3A_346, %sign3A_349 : i32
      %sign3A_351 = arith.constant 0 : i32
      %sign3A_352 = arith.cmpi sgt, %jit3A_342, %sign3A_351 : i32
      %sign3A_353 = arith.extui %sign3A_352 : i1 to i32
      %sign3A_354 = arith.constant 0 : i32
      %sign3A_355 = arith.cmpi slt, %jit3A_342, %sign3A_354 : i32
      %sign3A_356 = arith.extui %sign3A_355 : i1 to i32
      %sign3A_357 = arith.subi %sign3A_353, %sign3A_356 : i32
      %ne3A_358 = arith.cmpi ne, %sign3A_350, %sign3A_357 : i32
      %rem3A_359 = arith.remsi %add3A_341, %jit3A_342 : i32
      %ne3A_360 = arith.constant 0 : i32
      %ne3A_361 = arith.cmpi ne, %rem3A_359, %ne3A_360 : i32
      %and3A_362 = arith.andi %ne3A_358, %ne3A_361 : i1
      %sub3A_363 = arith.constant 1 : i32
      %sub3A_364 = arith.subi %div3A_343, %sub3A_363 : i32
      %select_n3A_365 = arith.select %and3A_362, %sub3A_364, %div3A_343 : i32
      %jit3A_366 = arith.constant 1 : i32
      %eq3A_367 = arith.constant 0 : i32
      %eq3A_368 = arith.cmpi eq, %jit3A_366, %eq3A_367 : i32
      %jit3A_369 = arith.constant 1 : i32
      %select_n3A_370 = arith.select %eq3A_368, %jit3A_369, %jit3A_366 : i32
      %rem3A_371 = arith.remsi %add3A_341, %select_n3A_370 : i32
      %ne3A_372 = arith.constant 0 : i32
      %ne3A_373 = arith.cmpi ne, %rem3A_371, %ne3A_372 : i32
      %lt3A_374 = arith.constant 0 : i32
      %lt3A_375 = arith.cmpi slt, %rem3A_371, %lt3A_374 : i32
      %lt3A_376 = arith.constant 0 : i32
      %lt3A_377 = arith.cmpi slt, %select_n3A_370, %lt3A_376 : i32
      %ne3A_378 = arith.xori %lt3A_375, %lt3A_377 : i1
      %and3A_379 = arith.andi %ne3A_378, %ne3A_373 : i1
      %add3A_380 = arith.addi %rem3A_371, %select_n3A_370 : i32
      %select_n3A_381 = arith.select %and3A_379, %add3A_380, %rem3A_371 : i32
      %mul3A_382 = arith.constant 128 : i32
      %mul3A_383 = arith.muli %select_n3A_381, %mul3A_382 : i32
      %mul3A_384 = arith.constant 4096 : i32
      %mul3A_385 = arith.muli %select_n3A_365, %mul3A_384 : i32
      %add3A_386 = arith.addi %mul3A_385, %mul3A_2 : i32
      %add3A_387 = arith.addi %add3A_386, %mul3A_383 : i32
      %dma_start3A_388 = arith.constant 0 : i32
      %dma_start3A_389 = tpu.memref_slice %arg4[%add3A_387, %dma_start3A_388] : memref<204800x128xf32, #tpu.memory_space<hbm>> -> memref<128x128xf32, #tpu.memory_space<hbm>>
      %dma_start3A_390 = arith.constant 0 : i32
      %dma_start3A_391 = tpu.memref_slice %arg4[%add3A_387, %dma_start3A_390] : memref<204800x128xf32, #tpu.memory_space<hbm>> -> memref<128x128xf32, #tpu.memory_space<hbm>>
      tpu.enqueue_dma source(%arg9 : memref<128x128xf32, #tpu.memory_space<vmem>>) target(%dma_start3A_391 : memref<128x128xf32, #tpu.memory_space<hbm>>) target_semaphore(%arg17 : memref<!tpu.dma_semaphore, #tpu.memory_space<semaphore_mem>>)
      %add3A_392 = arith.constant 1 : i32
      %add3A_393 = arith.addi %add3A_165, %add3A_392 : i32
      %dma_wait3A_394 = arith.constant 0 : i32
      %dma_wait3A_395 = arith.constant 0 : i32
      %dma_wait3A_396 = tpu.memref_slice %arg5[%dma_wait3A_394, %dma_wait3A_395] : memref<50x128xi32, #tpu.memory_space<vmem>> -> memref<1x128xi32, #tpu.memory_space<vmem>>
      %dma_wait3A_397 = tpu.memref_squeeze %dma_wait3A_396 : memref<1x128xi32, #tpu.memory_space<vmem>> -> memref<128xi32, #tpu.memory_space<vmem>>
      %dma_wait3A_398 = arith.constant 0 : i32
      %dma_wait3A_399 = arith.constant 0 : i32
      %dma_wait3A_400 = tpu.memref_slice %arg3[%dma_wait3A_398, %dma_wait3A_399] : memref<100000x128xf32, #tpu.memory_space<hbm>> -> memref<100000x128xf32, #tpu.memory_space<hbm>>
      tpu.wait_indirect_dma semaphore(%arg10 : memref<!tpu.dma_semaphore, #tpu.memory_space<semaphore_mem>>) src(%dma_wait3A_400 : memref<100000x128xf32, #tpu.memory_space<hbm>>) dst(%arg6 : memref<128x128xf32, #tpu.memory_space<vmem>>)
      %dma_wait3A_401 = arith.constant 0 : i32
      %dma_wait3A_402 = arith.constant 0 : i32
      %dma_wait3A_403 = tpu.memref_slice %arg5[%dma_wait3A_401, %dma_wait3A_402] : memref<50x128xi32, #tpu.memory_space<vmem>> -> memref<1x128xi32, #tpu.memory_space<vmem>>
      %dma_wait3A_404 = tpu.memref_squeeze %dma_wait3A_403 : memref<1x128xi32, #tpu.memory_space<vmem>> -> memref<128xi32, #tpu.memory_space<vmem>>
      %dma_wait3A_405 = arith.constant 0 : i32
      %dma_wait3A_406 = arith.constant 0 : i32
      %dma_wait3A_407 = tpu.memref_slice %arg3[%dma_wait3A_405, %dma_wait3A_406] : memref<100000x128xf32, #tpu.memory_space<hbm>> -> memref<100000x128xf32, #tpu.memory_space<hbm>>
      tpu.wait_indirect_dma semaphore(%arg11 : memref<!tpu.dma_semaphore, #tpu.memory_space<semaphore_mem>>) src(%dma_wait3A_407 : memref<100000x128xf32, #tpu.memory_space<hbm>>) dst(%arg7 : memref<128x128xf32, #tpu.memory_space<vmem>>)
      %dma_wait3A_408 = arith.constant 0 : i32
      %dma_wait3A_409 = tpu.memref_slice %arg4[%mul3A_2, %dma_wait3A_408] : memref<204800x128xf32, #tpu.memory_space<hbm>> -> memref<128x128xf32, #tpu.memory_space<hbm>>
      %dma_wait3A_410 = arith.constant 0 : i32
      %dma_wait3A_411 = tpu.memref_slice %arg4[%mul3A_2, %dma_wait3A_410] : memref<204800x128xf32, #tpu.memory_space<hbm>> -> memref<128x128xf32, #tpu.memory_space<hbm>>
      tpu.wait_dma2 semaphore(%arg16 : memref<!tpu.dma_semaphore, #tpu.memory_space<semaphore_mem>>) src(%arg8 : memref<128x128xf32, #tpu.memory_space<vmem>>) dst(%dma_wait3A_411 : memref<128x128xf32, #tpu.memory_space<hbm>>)
      %dma_wait3A_412 = arith.constant 0 : i32
      %dma_wait3A_413 = tpu.memref_slice %arg4[%mul3A_2, %dma_wait3A_412] : memref<204800x128xf32, #tpu.memory_space<hbm>> -> memref<128x128xf32, #tpu.memory_space<hbm>>
      %dma_wait3A_414 = arith.constant 0 : i32
      %dma_wait3A_415 = tpu.memref_slice %arg4[%mul3A_2, %dma_wait3A_414] : memref<204800x128xf32, #tpu.memory_space<hbm>> -> memref<128x128xf32, #tpu.memory_space<hbm>>
      tpu.wait_dma2 semaphore(%arg17 : memref<!tpu.dma_semaphore, #tpu.memory_space<semaphore_mem>>) src(%arg9 : memref<128x128xf32, #tpu.memory_space<vmem>>) dst(%dma_wait3A_415 : memref<128x128xf32, #tpu.memory_space<hbm>>)
      %add3A_416 = arith.constant 1 : i32
      %add3A_417 = arith.addi %add3A_393, %add3A_416 : i32
      %mul3A_418 = arith.constant 2 : i32
      %mul3A_419 = arith.muli %add3A_417, %mul3A_418 : i32
      %add3A_420 = arith.constant 0 : i32
      %add3A_421 = arith.addi %mul3A_419, %add3A_420 : i32
      %jit3A_422 = arith.constant 1 : i32
      %div3A_423 = arith.divsi %add3A_421, %jit3A_422 : i32
      %sign3A_424 = arith.constant 0 : i32
      %sign3A_425 = arith.cmpi sgt, %add3A_421, %sign3A_424 : i32
      %sign3A_426 = arith.extui %sign3A_425 : i1 to i32
      %sign3A_427 = arith.constant 0 : i32
      %sign3A_428 = arith.cmpi slt, %add3A_421, %sign3A_427 : i32
      %sign3A_429 = arith.extui %sign3A_428 : i1 to i32
      %sign3A_430 = arith.subi %sign3A_426, %sign3A_429 : i32
      %sign3A_431 = arith.constant 0 : i32
      %sign3A_432 = arith.cmpi sgt, %jit3A_422, %sign3A_431 : i32
      %sign3A_433 = arith.extui %sign3A_432 : i1 to i32
      %sign3A_434 = arith.constant 0 : i32
      %sign3A_435 = arith.cmpi slt, %jit3A_422, %sign3A_434 : i32
      %sign3A_436 = arith.extui %sign3A_435 : i1 to i32
      %sign3A_437 = arith.subi %sign3A_433, %sign3A_436 : i32
      %ne3A_438 = arith.cmpi ne, %sign3A_430, %sign3A_437 : i32
      %rem3A_439 = arith.remsi %add3A_421, %jit3A_422 : i32
      %ne3A_440 = arith.constant 0 : i32
      %ne3A_441 = arith.cmpi ne, %rem3A_439, %ne3A_440 : i32
      %and3A_442 = arith.andi %ne3A_438, %ne3A_441 : i1
      %sub3A_443 = arith.constant 1 : i32
      %sub3A_444 = arith.subi %div3A_423, %sub3A_443 : i32
      %select_n3A_445 = arith.select %and3A_442, %sub3A_444, %div3A_423 : i32
      %jit3A_446 = arith.constant 1 : i32
      %eq3A_447 = arith.constant 0 : i32
      %eq3A_448 = arith.cmpi eq, %jit3A_446, %eq3A_447 : i32
      %jit3A_449 = arith.constant 1 : i32
      %select_n3A_450 = arith.select %eq3A_448, %jit3A_449, %jit3A_446 : i32
      %rem3A_451 = arith.remsi %add3A_421, %select_n3A_450 : i32
      %ne3A_452 = arith.constant 0 : i32
      %ne3A_453 = arith.cmpi ne, %rem3A_451, %ne3A_452 : i32
      %lt3A_454 = arith.constant 0 : i32
      %lt3A_455 = arith.cmpi slt, %rem3A_451, %lt3A_454 : i32
      %lt3A_456 = arith.constant 0 : i32
      %lt3A_457 = arith.cmpi slt, %select_n3A_450, %lt3A_456 : i32
      %ne3A_458 = arith.xori %lt3A_455, %lt3A_457 : i1
      %and3A_459 = arith.andi %ne3A_458, %ne3A_453 : i1
      %add3A_460 = arith.addi %rem3A_451, %select_n3A_450 : i32
      %select_n3A_461 = arith.select %and3A_459, %add3A_460, %rem3A_451 : i32
      %mul3A_462 = arith.constant 128 : i32
      %mul3A_463 = arith.muli %select_n3A_461, %mul3A_462 : i32
      %dma_start3A_464 = tpu.memref_slice %arg5[%select_n3A_445, %mul3A_463] : memref<50x128xi32, #tpu.memory_space<vmem>> -> memref<1x128xi32, #tpu.memory_space<vmem>>
      %dma_start3A_465 = tpu.memref_squeeze %dma_start3A_464 : memref<1x128xi32, #tpu.memory_space<vmem>> -> memref<128xi32, #tpu.memory_space<vmem>>
      %dma_start3A_466 = arith.constant 0 : i32
      %dma_start3A_467 = arith.constant 0 : i32
      %dma_start3A_468 = tpu.memref_slice %arg3[%dma_start3A_466, %dma_start3A_467] : memref<100000x128xf32, #tpu.memory_space<hbm>> -> memref<100000x128xf32, #tpu.memory_space<hbm>>
      tpu.enqueue_indirect_dma source(%dma_start3A_468 : memref<100000x128xf32, #tpu.memory_space<hbm>>) target(%arg8 : memref<128x128xf32, #tpu.memory_space<vmem>>) offsets(%dma_start3A_465 : memref<128xi32, #tpu.memory_space<vmem>>) semaphore(%arg12 : memref<!tpu.dma_semaphore, #tpu.memory_space<semaphore_mem>>)
      %add3A_469 = arith.constant 1 : i32
      %add3A_470 = arith.addi %add3A_393, %add3A_469 : i32
      %mul3A_471 = arith.constant 2 : i32
      %mul3A_472 = arith.muli %add3A_470, %mul3A_471 : i32
      %add3A_473 = arith.constant 1 : i32
      %add3A_474 = arith.addi %mul3A_472, %add3A_473 : i32
      %jit3A_475 = arith.constant 1 : i32
      %div3A_476 = arith.divsi %add3A_474, %jit3A_475 : i32
      %sign3A_477 = arith.constant 0 : i32
      %sign3A_478 = arith.cmpi sgt, %add3A_474, %sign3A_477 : i32
      %sign3A_479 = arith.extui %sign3A_478 : i1 to i32
      %sign3A_480 = arith.constant 0 : i32
      %sign3A_481 = arith.cmpi slt, %add3A_474, %sign3A_480 : i32
      %sign3A_482 = arith.extui %sign3A_481 : i1 to i32
      %sign3A_483 = arith.subi %sign3A_479, %sign3A_482 : i32
      %sign3A_484 = arith.constant 0 : i32
      %sign3A_485 = arith.cmpi sgt, %jit3A_475, %sign3A_484 : i32
      %sign3A_486 = arith.extui %sign3A_485 : i1 to i32
      %sign3A_487 = arith.constant 0 : i32
      %sign3A_488 = arith.cmpi slt, %jit3A_475, %sign3A_487 : i32
      %sign3A_489 = arith.extui %sign3A_488 : i1 to i32
      %sign3A_490 = arith.subi %sign3A_486, %sign3A_489 : i32
      %ne3A_491 = arith.cmpi ne, %sign3A_483, %sign3A_490 : i32
      %rem3A_492 = arith.remsi %add3A_474, %jit3A_475 : i32
      %ne3A_493 = arith.constant 0 : i32
      %ne3A_494 = arith.cmpi ne, %rem3A_492, %ne3A_493 : i32
      %and3A_495 = arith.andi %ne3A_491, %ne3A_494 : i1
      %sub3A_496 = arith.constant 1 : i32
      %sub3A_497 = arith.subi %div3A_476, %sub3A_496 : i32
      %select_n3A_498 = arith.select %and3A_495, %sub3A_497, %div3A_476 : i32
      %jit3A_499 = arith.constant 1 : i32
      %eq3A_500 = arith.constant 0 : i32
      %eq3A_501 = arith.cmpi eq, %jit3A_499, %eq3A_500 : i32
      %jit3A_502 = arith.constant 1 : i32
      %select_n3A_503 = arith.select %eq3A_501, %jit3A_502, %jit3A_499 : i32
      %rem3A_504 = arith.remsi %add3A_474, %select_n3A_503 : i32
      %ne3A_505 = arith.constant 0 : i32
      %ne3A_506 = arith.cmpi ne, %rem3A_504, %ne3A_505 : i32
      %lt3A_507 = arith.constant 0 : i32
      %lt3A_508 = arith.cmpi slt, %rem3A_504, %lt3A_507 : i32
      %lt3A_509 = arith.constant 0 : i32
      %lt3A_510 = arith.cmpi slt, %select_n3A_503, %lt3A_509 : i32
      %ne3A_511 = arith.xori %lt3A_508, %lt3A_510 : i1
      %and3A_512 = arith.andi %ne3A_511, %ne3A_506 : i1
      %add3A_513 = arith.addi %rem3A_504, %select_n3A_503 : i32
      %select_n3A_514 = arith.select %and3A_512, %add3A_513, %rem3A_504 : i32
      %mul3A_515 = arith.constant 128 : i32
      %mul3A_516 = arith.muli %select_n3A_514, %mul3A_515 : i32
      %dma_start3A_517 = tpu.memref_slice %arg5[%select_n3A_498, %mul3A_516] : memref<50x128xi32, #tpu.memory_space<vmem>> -> memref<1x128xi32, #tpu.memory_space<vmem>>
      %dma_start3A_518 = tpu.memref_squeeze %dma_start3A_517 : memref<1x128xi32, #tpu.memory_space<vmem>> -> memref<128xi32, #tpu.memory_space<vmem>>
      %dma_start3A_519 = arith.constant 0 : i32
      %dma_start3A_520 = arith.constant 0 : i32
      %dma_start3A_521 = tpu.memref_slice %arg3[%dma_start3A_519, %dma_start3A_520] : memref<100000x128xf32, #tpu.memory_space<hbm>> -> memref<100000x128xf32, #tpu.memory_space<hbm>>
      tpu.enqueue_indirect_dma source(%dma_start3A_521 : memref<100000x128xf32, #tpu.memory_space<hbm>>) target(%arg9 : memref<128x128xf32, #tpu.memory_space<vmem>>) offsets(%dma_start3A_518 : memref<128xi32, #tpu.memory_space<vmem>>) semaphore(%arg13 : memref<!tpu.dma_semaphore, #tpu.memory_space<semaphore_mem>>)
      %mul3A_522 = arith.constant 2 : i32
      %mul3A_523 = arith.muli %add3A_393, %mul3A_522 : i32
      %add3A_524 = arith.constant 0 : i32
      %add3A_525 = arith.addi %mul3A_523, %add3A_524 : i32
      %jit3A_526 = arith.constant 1 : i32
      %div3A_527 = arith.divsi %add3A_525, %jit3A_526 : i32
      %sign3A_528 = arith.constant 0 : i32
      %sign3A_529 = arith.cmpi sgt, %add3A_525, %sign3A_528 : i32
      %sign3A_530 = arith.extui %sign3A_529 : i1 to i32
      %sign3A_531 = arith.constant 0 : i32
      %sign3A_532 = arith.cmpi slt, %add3A_525, %sign3A_531 : i32
      %sign3A_533 = arith.extui %sign3A_532 : i1 to i32
      %sign3A_534 = arith.subi %sign3A_530, %sign3A_533 : i32
      %sign3A_535 = arith.constant 0 : i32
      %sign3A_536 = arith.cmpi sgt, %jit3A_526, %sign3A_535 : i32
      %sign3A_537 = arith.extui %sign3A_536 : i1 to i32
      %sign3A_538 = arith.constant 0 : i32
      %sign3A_539 = arith.cmpi slt, %jit3A_526, %sign3A_538 : i32
      %sign3A_540 = arith.extui %sign3A_539 : i1 to i32
      %sign3A_541 = arith.subi %sign3A_537, %sign3A_540 : i32
      %ne3A_542 = arith.cmpi ne, %sign3A_534, %sign3A_541 : i32
      %rem3A_543 = arith.remsi %add3A_525, %jit3A_526 : i32
      %ne3A_544 = arith.constant 0 : i32
      %ne3A_545 = arith.cmpi ne, %rem3A_543, %ne3A_544 : i32
      %and3A_546 = arith.andi %ne3A_542, %ne3A_545 : i1
      %sub3A_547 = arith.constant 1 : i32
      %sub3A_548 = arith.subi %div3A_527, %sub3A_547 : i32
      %select_n3A_549 = arith.select %and3A_546, %sub3A_548, %div3A_527 : i32
      %jit3A_550 = arith.constant 1 : i32
      %eq3A_551 = arith.constant 0 : i32
      %eq3A_552 = arith.cmpi eq, %jit3A_550, %eq3A_551 : i32
      %jit3A_553 = arith.constant 1 : i32
      %select_n3A_554 = arith.select %eq3A_552, %jit3A_553, %jit3A_550 : i32
      %rem3A_555 = arith.remsi %add3A_525, %select_n3A_554 : i32
      %ne3A_556 = arith.constant 0 : i32
      %ne3A_557 = arith.cmpi ne, %rem3A_555, %ne3A_556 : i32
      %lt3A_558 = arith.constant 0 : i32
      %lt3A_559 = arith.cmpi slt, %rem3A_555, %lt3A_558 : i32
      %lt3A_560 = arith.constant 0 : i32
      %lt3A_561 = arith.cmpi slt, %select_n3A_554, %lt3A_560 : i32
      %ne3A_562 = arith.xori %lt3A_559, %lt3A_561 : i1
      %and3A_563 = arith.andi %ne3A_562, %ne3A_557 : i1
      %add3A_564 = arith.addi %rem3A_555, %select_n3A_554 : i32
      %select_n3A_565 = arith.select %and3A_563, %add3A_564, %rem3A_555 : i32
      %mul3A_566 = arith.constant 128 : i32
      %mul3A_567 = arith.muli %select_n3A_565, %mul3A_566 : i32
      %mul3A_568 = arith.constant 4096 : i32
      %mul3A_569 = arith.muli %select_n3A_549, %mul3A_568 : i32
      %add3A_570 = arith.addi %mul3A_569, %mul3A_2 : i32
      %add3A_571 = arith.addi %add3A_570, %mul3A_567 : i32
      %dma_start3A_572 = arith.constant 0 : i32
      %dma_start3A_573 = tpu.memref_slice %arg4[%add3A_571, %dma_start3A_572] : memref<204800x128xf32, #tpu.memory_space<hbm>> -> memref<128x128xf32, #tpu.memory_space<hbm>>
      %dma_start3A_574 = arith.constant 0 : i32
      %dma_start3A_575 = tpu.memref_slice %arg4[%add3A_571, %dma_start3A_574] : memref<204800x128xf32, #tpu.memory_space<hbm>> -> memref<128x128xf32, #tpu.memory_space<hbm>>
      tpu.enqueue_dma source(%arg6 : memref<128x128xf32, #tpu.memory_space<vmem>>) target(%dma_start3A_575 : memref<128x128xf32, #tpu.memory_space<hbm>>) target_semaphore(%arg14 : memref<!tpu.dma_semaphore, #tpu.memory_space<semaphore_mem>>)
      %mul3A_576 = arith.constant 2 : i32
      %mul3A_577 = arith.muli %add3A_393, %mul3A_576 : i32
      %add3A_578 = arith.constant 1 : i32
      %add3A_579 = arith.addi %mul3A_577, %add3A_578 : i32
      %jit3A_580 = arith.constant 1 : i32
      %div3A_581 = arith.divsi %add3A_579, %jit3A_580 : i32
      %sign3A_582 = arith.constant 0 : i32
      %sign3A_583 = arith.cmpi sgt, %add3A_579, %sign3A_582 : i32
      %sign3A_584 = arith.extui %sign3A_583 : i1 to i32
      %sign3A_585 = arith.constant 0 : i32
      %sign3A_586 = arith.cmpi slt, %add3A_579, %sign3A_585 : i32
      %sign3A_587 = arith.extui %sign3A_586 : i1 to i32
      %sign3A_588 = arith.subi %sign3A_584, %sign3A_587 : i32
      %sign3A_589 = arith.constant 0 : i32
      %sign3A_590 = arith.cmpi sgt, %jit3A_580, %sign3A_589 : i32
      %sign3A_591 = arith.extui %sign3A_590 : i1 to i32
      %sign3A_592 = arith.constant 0 : i32
      %sign3A_593 = arith.cmpi slt, %jit3A_580, %sign3A_592 : i32
      %sign3A_594 = arith.extui %sign3A_593 : i1 to i32
      %sign3A_595 = arith.subi %sign3A_591, %sign3A_594 : i32
      %ne3A_596 = arith.cmpi ne, %sign3A_588, %sign3A_595 : i32
      %rem3A_597 = arith.remsi %add3A_579, %jit3A_580 : i32
      %ne3A_598 = arith.constant 0 : i32
      %ne3A_599 = arith.cmpi ne, %rem3A_597, %ne3A_598 : i32
      %and3A_600 = arith.andi %ne3A_596, %ne3A_599 : i1
      %sub3A_601 = arith.constant 1 : i32
      %sub3A_602 = arith.subi %div3A_581, %sub3A_601 : i32
      %select_n3A_603 = arith.select %and3A_600, %sub3A_602, %div3A_581 : i32
      %jit3A_604 = arith.constant 1 : i32
      %eq3A_605 = arith.constant 0 : i32
      %eq3A_606 = arith.cmpi eq, %jit3A_604, %eq3A_605 : i32
      %jit3A_607 = arith.constant 1 : i32
      %select_n3A_608 = arith.select %eq3A_606, %jit3A_607, %jit3A_604 : i32
      %rem3A_609 = arith.remsi %add3A_579, %select_n3A_608 : i32
      %ne3A_610 = arith.constant 0 : i32
      %ne3A_611 = arith.cmpi ne, %rem3A_609, %ne3A_610 : i32
      %lt3A_612 = arith.constant 0 : i32
      %lt3A_613 = arith.cmpi slt, %rem3A_609, %lt3A_612 : i32
      %lt3A_614 = arith.constant 0 : i32
      %lt3A_615 = arith.cmpi slt, %select_n3A_608, %lt3A_614 : i32
      %ne3A_616 = arith.xori %lt3A_613, %lt3A_615 : i1
      %and3A_617 = arith.andi %ne3A_616, %ne3A_611 : i1
      %add3A_618 = arith.addi %rem3A_609, %select_n3A_608 : i32
      %select_n3A_619 = arith.select %and3A_617, %add3A_618, %rem3A_609 : i32
      %mul3A_620 = arith.constant 128 : i32
      %mul3A_621 = arith.muli %select_n3A_619, %mul3A_620 : i32
      %mul3A_622 = arith.constant 4096 : i32
      %mul3A_623 = arith.muli %select_n3A_603, %mul3A_622 : i32
      %add3A_624 = arith.addi %mul3A_623, %mul3A_2 : i32
      %add3A_625 = arith.addi %add3A_624, %mul3A_621 : i32
      %dma_start3A_626 = arith.constant 0 : i32
      %dma_start3A_627 = tpu.memref_slice %arg4[%add3A_625, %dma_start3A_626] : memref<204800x128xf32, #tpu.memory_space<hbm>> -> memref<128x128xf32, #tpu.memory_space<hbm>>
      %dma_start3A_628 = arith.constant 0 : i32
      %dma_start3A_629 = tpu.memref_slice %arg4[%add3A_625, %dma_start3A_628] : memref<204800x128xf32, #tpu.memory_space<hbm>> -> memref<128x128xf32, #tpu.memory_space<hbm>>
      tpu.enqueue_dma source(%arg7 : memref<128x128xf32, #tpu.memory_space<vmem>>) target(%dma_start3A_629 : memref<128x128xf32, #tpu.memory_space<hbm>>) target_semaphore(%arg15 : memref<!tpu.dma_semaphore, #tpu.memory_space<semaphore_mem>>)
    }
    %scan3A_62 = arith.constant 11 : i32
    %dma_wait3A_63 = arith.constant 0 : i32
    %dma_wait3A_64 = arith.constant 0 : i32
    %dma_wait3A_65 = tpu.memref_slice %arg5[%dma_wait3A_63, %dma_wait3A_64] : memref<50x128xi32, #tpu.memory_space<vmem>> -> memref<1x128xi32, #tpu.memory_space<vmem>>
    %dma_wait3A_66 = tpu.memref_squeeze %dma_wait3A_65 : memref<1x128xi32, #tpu.memory_space<vmem>> -> memref<128xi32, #tpu.memory_space<vmem>>
    %dma_wait3A_67 = arith.constant 0 : i32
    %dma_wait3A_68 = arith.constant 0 : i32
    %dma_wait3A_69 = tpu.memref_slice %arg3[%dma_wait3A_67, %dma_wait3A_68] : memref<100000x128xf32, #tpu.memory_space<hbm>> -> memref<100000x128xf32, #tpu.memory_space<hbm>>
    tpu.wait_indirect_dma semaphore(%arg12 : memref<!tpu.dma_semaphore, #tpu.memory_space<semaphore_mem>>) src(%dma_wait3A_69 : memref<100000x128xf32, #tpu.memory_space<hbm>>) dst(%arg8 : memref<128x128xf32, #tpu.memory_space<vmem>>)
    %dma_wait3A_70 = arith.constant 0 : i32
    %dma_wait3A_71 = arith.constant 0 : i32
    %dma_wait3A_72 = tpu.memref_slice %arg5[%dma_wait3A_70, %dma_wait3A_71] : memref<50x128xi32, #tpu.memory_space<vmem>> -> memref<1x128xi32, #tpu.memory_space<vmem>>
    %dma_wait3A_73 = tpu.memref_squeeze %dma_wait3A_72 : memref<1x128xi32, #tpu.memory_space<vmem>> -> memref<128xi32, #tpu.memory_space<vmem>>
    %dma_wait3A_74 = arith.constant 0 : i32
    %dma_wait3A_75 = arith.constant 0 : i32
    %dma_wait3A_76 = tpu.memref_slice %arg3[%dma_wait3A_74, %dma_wait3A_75] : memref<100000x128xf32, #tpu.memory_space<hbm>> -> memref<100000x128xf32, #tpu.memory_space<hbm>>
    tpu.wait_indirect_dma semaphore(%arg13 : memref<!tpu.dma_semaphore, #tpu.memory_space<semaphore_mem>>) src(%dma_wait3A_76 : memref<100000x128xf32, #tpu.memory_space<hbm>>) dst(%arg9 : memref<128x128xf32, #tpu.memory_space<vmem>>)
    %dma_wait3A_77 = arith.constant 0 : i32
    %dma_wait3A_78 = tpu.memref_slice %arg4[%mul3A_2, %dma_wait3A_77] : memref<204800x128xf32, #tpu.memory_space<hbm>> -> memref<128x128xf32, #tpu.memory_space<hbm>>
    %dma_wait3A_79 = arith.constant 0 : i32
    %dma_wait3A_80 = tpu.memref_slice %arg4[%mul3A_2, %dma_wait3A_79] : memref<204800x128xf32, #tpu.memory_space<hbm>> -> memref<128x128xf32, #tpu.memory_space<hbm>>
    tpu.wait_dma2 semaphore(%arg14 : memref<!tpu.dma_semaphore, #tpu.memory_space<semaphore_mem>>) src(%arg6 : memref<128x128xf32, #tpu.memory_space<vmem>>) dst(%dma_wait3A_80 : memref<128x128xf32, #tpu.memory_space<hbm>>)
    %dma_wait3A_81 = arith.constant 0 : i32
    %dma_wait3A_82 = tpu.memref_slice %arg4[%mul3A_2, %dma_wait3A_81] : memref<204800x128xf32, #tpu.memory_space<hbm>> -> memref<128x128xf32, #tpu.memory_space<hbm>>
    %dma_wait3A_83 = arith.constant 0 : i32
    %dma_wait3A_84 = tpu.memref_slice %arg4[%mul3A_2, %dma_wait3A_83] : memref<204800x128xf32, #tpu.memory_space<hbm>> -> memref<128x128xf32, #tpu.memory_space<hbm>>
    tpu.wait_dma2 semaphore(%arg15 : memref<!tpu.dma_semaphore, #tpu.memory_space<semaphore_mem>>) src(%arg7 : memref<128x128xf32, #tpu.memory_space<vmem>>) dst(%dma_wait3A_84 : memref<128x128xf32, #tpu.memory_space<hbm>>)
    %dma_start3A_85 = arith.constant 48 : i32
    %dma_start3A_86 = arith.constant 0 : i32
    %dma_start3A_87 = tpu.memref_slice %arg5[%dma_start3A_85, %dma_start3A_86] : memref<50x128xi32, #tpu.memory_space<vmem>> -> memref<1x128xi32, #tpu.memory_space<vmem>>
    %dma_start3A_88 = tpu.memref_squeeze %dma_start3A_87 : memref<1x128xi32, #tpu.memory_space<vmem>> -> memref<128xi32, #tpu.memory_space<vmem>>
    %dma_start3A_89 = arith.constant 0 : i32
    %dma_start3A_90 = arith.constant 0 : i32
    %dma_start3A_91 = tpu.memref_slice %arg3[%dma_start3A_89, %dma_start3A_90] : memref<100000x128xf32, #tpu.memory_space<hbm>> -> memref<100000x128xf32, #tpu.memory_space<hbm>>
    tpu.enqueue_indirect_dma source(%dma_start3A_91 : memref<100000x128xf32, #tpu.memory_space<hbm>>) target(%arg6 : memref<128x128xf32, #tpu.memory_space<vmem>>) offsets(%dma_start3A_88 : memref<128xi32, #tpu.memory_space<vmem>>) semaphore(%arg10 : memref<!tpu.dma_semaphore, #tpu.memory_space<semaphore_mem>>)
    %dma_start3A_92 = arith.constant 49 : i32
    %dma_start3A_93 = arith.constant 0 : i32
    %dma_start3A_94 = tpu.memref_slice %arg5[%dma_start3A_92, %dma_start3A_93] : memref<50x128xi32, #tpu.memory_space<vmem>> -> memref<1x128xi32, #tpu.memory_space<vmem>>
    %dma_start3A_95 = tpu.memref_squeeze %dma_start3A_94 : memref<1x128xi32, #tpu.memory_space<vmem>> -> memref<128xi32, #tpu.memory_space<vmem>>
    %dma_start3A_96 = arith.constant 0 : i32
    %dma_start3A_97 = arith.constant 0 : i32
    %dma_start3A_98 = tpu.memref_slice %arg3[%dma_start3A_96, %dma_start3A_97] : memref<100000x128xf32, #tpu.memory_space<hbm>> -> memref<100000x128xf32, #tpu.memory_space<hbm>>
    tpu.enqueue_indirect_dma source(%dma_start3A_98 : memref<100000x128xf32, #tpu.memory_space<hbm>>) target(%arg7 : memref<128x128xf32, #tpu.memory_space<vmem>>) offsets(%dma_start3A_95 : memref<128xi32, #tpu.memory_space<vmem>>) semaphore(%arg11 : memref<!tpu.dma_semaphore, #tpu.memory_space<semaphore_mem>>)
    %add3A_99 = arith.constant 188416 : i32
    %add3A_100 = arith.addi %add3A_99, %mul3A_2 : i32
    %add3A_101 = arith.constant 0 : i32
    %add3A_102 = arith.addi %add3A_100, %add3A_101 : i32
    %dma_start3A_103 = arith.constant 0 : i32
    %dma_start3A_104 = tpu.memref_slice %arg4[%add3A_102, %dma_start3A_103] : memref<204800x128xf32, #tpu.memory_space<hbm>> -> memref<128x128xf32, #tpu.memory_space<hbm>>
    %dma_start3A_105 = arith.constant 0 : i32
    %dma_start3A_106 = tpu.memref_slice %arg4[%add3A_102, %dma_start3A_105] : memref<204800x128xf32, #tpu.memory_space<hbm>> -> memref<128x128xf32, #tpu.memory_space<hbm>>
    tpu.enqueue_dma source(%arg8 : memref<128x128xf32, #tpu.memory_space<vmem>>) target(%dma_start3A_106 : memref<128x128xf32, #tpu.memory_space<hbm>>) target_semaphore(%arg16 : memref<!tpu.dma_semaphore, #tpu.memory_space<semaphore_mem>>)
    %add3A_107 = arith.constant 192512 : i32
    %add3A_108 = arith.addi %add3A_107, %mul3A_2 : i32
    %add3A_109 = arith.constant 0 : i32
    %add3A_110 = arith.addi %add3A_108, %add3A_109 : i32
    %dma_start3A_111 = arith.constant 0 : i32
    %dma_start3A_112 = tpu.memref_slice %arg4[%add3A_110, %dma_start3A_111] : memref<204800x128xf32, #tpu.memory_space<hbm>> -> memref<128x128xf32, #tpu.memory_space<hbm>>
    %dma_start3A_113 = arith.constant 0 : i32
    %dma_start3A_114 = tpu.memref_slice %arg4[%add3A_110, %dma_start3A_113] : memref<204800x128xf32, #tpu.memory_space<hbm>> -> memref<128x128xf32, #tpu.memory_space<hbm>>
    tpu.enqueue_dma source(%arg9 : memref<128x128xf32, #tpu.memory_space<vmem>>) target(%dma_start3A_114 : memref<128x128xf32, #tpu.memory_space<hbm>>) target_semaphore(%arg17 : memref<!tpu.dma_semaphore, #tpu.memory_space<semaphore_mem>>)
    %dma_wait3A_115 = arith.constant 0 : i32
    %dma_wait3A_116 = arith.constant 0 : i32
    %dma_wait3A_117 = tpu.memref_slice %arg5[%dma_wait3A_115, %dma_wait3A_116] : memref<50x128xi32, #tpu.memory_space<vmem>> -> memref<1x128xi32, #tpu.memory_space<vmem>>
    %dma_wait3A_118 = tpu.memref_squeeze %dma_wait3A_117 : memref<1x128xi32, #tpu.memory_space<vmem>> -> memref<128xi32, #tpu.memory_space<vmem>>
    %dma_wait3A_119 = arith.constant 0 : i32
    %dma_wait3A_120 = arith.constant 0 : i32
    %dma_wait3A_121 = tpu.memref_slice %arg3[%dma_wait3A_119, %dma_wait3A_120] : memref<100000x128xf32, #tpu.memory_space<hbm>> -> memref<100000x128xf32, #tpu.memory_space<hbm>>
    tpu.wait_indirect_dma semaphore(%arg10 : memref<!tpu.dma_semaphore, #tpu.memory_space<semaphore_mem>>) src(%dma_wait3A_121 : memref<100000x128xf32, #tpu.memory_space<hbm>>) dst(%arg6 : memref<128x128xf32, #tpu.memory_space<vmem>>)
    %dma_wait3A_122 = arith.constant 0 : i32
    %dma_wait3A_123 = arith.constant 0 : i32
    %dma_wait3A_124 = tpu.memref_slice %arg5[%dma_wait3A_122, %dma_wait3A_123] : memref<50x128xi32, #tpu.memory_space<vmem>> -> memref<1x128xi32, #tpu.memory_space<vmem>>
    %dma_wait3A_125 = tpu.memref_squeeze %dma_wait3A_124 : memref<1x128xi32, #tpu.memory_space<vmem>> -> memref<128xi32, #tpu.memory_space<vmem>>
    %dma_wait3A_126 = arith.constant 0 : i32
    %dma_wait3A_127 = arith.constant 0 : i32
    %dma_wait3A_128 = tpu.memref_slice %arg3[%dma_wait3A_126, %dma_wait3A_127] : memref<100000x128xf32, #tpu.memory_space<hbm>> -> memref<100000x128xf32, #tpu.memory_space<hbm>>
    tpu.wait_indirect_dma semaphore(%arg11 : memref<!tpu.dma_semaphore, #tpu.memory_space<semaphore_mem>>) src(%dma_wait3A_128 : memref<100000x128xf32, #tpu.memory_space<hbm>>) dst(%arg7 : memref<128x128xf32, #tpu.memory_space<vmem>>)
    %dma_wait3A_129 = arith.constant 0 : i32
    %dma_wait3A_130 = tpu.memref_slice %arg4[%mul3A_2, %dma_wait3A_129] : memref<204800x128xf32, #tpu.memory_space<hbm>> -> memref<128x128xf32, #tpu.memory_space<hbm>>
    %dma_wait3A_131 = arith.constant 0 : i32
    %dma_wait3A_132 = tpu.memref_slice %arg4[%mul3A_2, %dma_wait3A_131] : memref<204800x128xf32, #tpu.memory_space<hbm>> -> memref<128x128xf32, #tpu.memory_space<hbm>>
    tpu.wait_dma2 semaphore(%arg16 : memref<!tpu.dma_semaphore, #tpu.memory_space<semaphore_mem>>) src(%arg8 : memref<128x128xf32, #tpu.memory_space<vmem>>) dst(%dma_wait3A_132 : memref<128x128xf32, #tpu.memory_space<hbm>>)
    %dma_wait3A_133 = arith.constant 0 : i32
    %dma_wait3A_134 = tpu.memref_slice %arg4[%mul3A_2, %dma_wait3A_133] : memref<204800x128xf32, #tpu.memory_space<hbm>> -> memref<128x128xf32, #tpu.memory_space<hbm>>
    %dma_wait3A_135 = arith.constant 0 : i32
    %dma_wait3A_136 = tpu.memref_slice %arg4[%mul3A_2, %dma_wait3A_135] : memref<204800x128xf32, #tpu.memory_space<hbm>> -> memref<128x128xf32, #tpu.memory_space<hbm>>
    tpu.wait_dma2 semaphore(%arg17 : memref<!tpu.dma_semaphore, #tpu.memory_space<semaphore_mem>>) src(%arg9 : memref<128x128xf32, #tpu.memory_space<vmem>>) dst(%dma_wait3A_136 : memref<128x128xf32, #tpu.memory_space<hbm>>)
    %add3A_137 = arith.constant 196608 : i32
    %add3A_138 = arith.addi %add3A_137, %mul3A_2 : i32
    %add3A_139 = arith.constant 0 : i32
    %add3A_140 = arith.addi %add3A_138, %add3A_139 : i32
    %dma_start3A_141 = arith.constant 0 : i32
    %dma_start3A_142 = tpu.memref_slice %arg4[%add3A_140, %dma_start3A_141] : memref<204800x128xf32, #tpu.memory_space<hbm>> -> memref<128x128xf32, #tpu.memory_space<hbm>>
    %dma_start3A_143 = arith.constant 0 : i32
    %dma_start3A_144 = tpu.memref_slice %arg4[%add3A_140, %dma_start3A_143] : memref<204800x128xf32, #tpu.memory_space<hbm>> -> memref<128x128xf32, #tpu.memory_space<hbm>>
    tpu.enqueue_dma source(%arg6 : memref<128x128xf32, #tpu.memory_space<vmem>>) target(%dma_start3A_144 : memref<128x128xf32, #tpu.memory_space<hbm>>) target_semaphore(%arg14 : memref<!tpu.dma_semaphore, #tpu.memory_space<semaphore_mem>>)
    %add3A_145 = arith.constant 200704 : i32
    %add3A_146 = arith.addi %add3A_145, %mul3A_2 : i32
    %add3A_147 = arith.constant 0 : i32
    %add3A_148 = arith.addi %add3A_146, %add3A_147 : i32
    %dma_start3A_149 = arith.constant 0 : i32
    %dma_start3A_150 = tpu.memref_slice %arg4[%add3A_148, %dma_start3A_149] : memref<204800x128xf32, #tpu.memory_space<hbm>> -> memref<128x128xf32, #tpu.memory_space<hbm>>
    %dma_start3A_151 = arith.constant 0 : i32
    %dma_start3A_152 = tpu.memref_slice %arg4[%add3A_148, %dma_start3A_151] : memref<204800x128xf32, #tpu.memory_space<hbm>> -> memref<128x128xf32, #tpu.memory_space<hbm>>
    tpu.enqueue_dma source(%arg7 : memref<128x128xf32, #tpu.memory_space<vmem>>) target(%dma_start3A_152 : memref<128x128xf32, #tpu.memory_space<hbm>>) target_semaphore(%arg15 : memref<!tpu.dma_semaphore, #tpu.memory_space<semaphore_mem>>)
    %dma_wait3A_153 = arith.constant 0 : i32
    %dma_wait3A_154 = tpu.memref_slice %arg4[%mul3A_2, %dma_wait3A_153] : memref<204800x128xf32, #tpu.memory_space<hbm>> -> memref<128x128xf32, #tpu.memory_space<hbm>>
    %dma_wait3A_155 = arith.constant 0 : i32
    %dma_wait3A_156 = tpu.memref_slice %arg4[%mul3A_2, %dma_wait3A_155] : memref<204800x128xf32, #tpu.memory_space<hbm>> -> memref<128x128xf32, #tpu.memory_space<hbm>>
    tpu.wait_dma2 semaphore(%arg14 : memref<!tpu.dma_semaphore, #tpu.memory_space<semaphore_mem>>) src(%arg6 : memref<128x128xf32, #tpu.memory_space<vmem>>) dst(%dma_wait3A_156 : memref<128x128xf32, #tpu.memory_space<hbm>>)
    %dma_wait3A_157 = arith.constant 0 : i32
    %dma_wait3A_158 = tpu.memref_slice %arg4[%mul3A_2, %dma_wait3A_157] : memref<204800x128xf32, #tpu.memory_space<hbm>> -> memref<128x128xf32, #tpu.memory_space<hbm>>
    %dma_wait3A_159 = arith.constant 0 : i32
    %dma_wait3A_160 = tpu.memref_slice %arg4[%mul3A_2, %dma_wait3A_159] : memref<204800x128xf32, #tpu.memory_space<hbm>> -> memref<128x128xf32, #tpu.memory_space<hbm>>
    tpu.wait_dma2 semaphore(%arg15 : memref<!tpu.dma_semaphore, #tpu.memory_space<semaphore_mem>>) src(%arg7 : memref<128x128xf32, #tpu.memory_space<vmem>>) dst(%dma_wait3A_160 : memref<128x128xf32, #tpu.memory_space<hbm>>)
    return
  }
}

</mosaic_0001>

<sc_bundles>
// kernel: kernel.3.cloned.1.call-start
scs
__scs_entry_jumppad:
0x0: {  	(pc) =	sbr.rel $0x88, $3  }
0x1: {  	(tag) =	ssettag $0x0;
	lr =	simm.s32 $0x1  }
0x2: {  	[smem:$0x3F9F] =	sst lr;
	_ =	strace $0xD0000000  }
0x3: {  	_ = 	snop  }
0x4: {  	_ = 	snop  }
0x5: {  	_ = 	snop  }
0x6: {  	_ = 	snop  }
0x7: {  	_ = 	snop  }
__scs_overlays_trampoline_lowered:
0x8: {  	[smem:$0x3FAE] =	sst s0  }
0x9: {  	[smem:$0x3FAF] =	sst s1  }
0xa: {  	[smem:$0x3FB0] =	sst s2  }
0xb: {  	[smem:$0x3FB1] =	sst s3  }
0xc: {  	[smem:$0x3FB2] =	sst s4  }
0xd: {  	[smem:$0x3FB3] =	sst s5  }
0xe: {  	[smem:$0x3FB4] =	sst s6  }
0xf: {  	[smem:$0x3FB5] =	sst s7  }
0x10: {  	[smem:$0x3FB6] =	sst s8  }
0x11: {  	[smem:$0x3FB7] =	sst s9;
	s0 =	simm.s32 @!p0 $0x0  }
0x12: {  	s1 =	sld [smem:$0x3F9D];
	s0 =	simm.s32 @p0 $0x1  }
0x13: {  	[smem:$0x3FB8] =	sst s0;
	s0 =	simm.s32 @!p1 $0x0  }
0x14: {  	s2 =	sld [smem:$0x3F9C];
	s0 =	simm.s32 @p1 $0x1  }
0x15: {  	[smem:$0x3FB9] =	sst s0;
	s0 =	simm.s32 @!p2 $0x0  }
0x16: {  	s3 =	sld [smem:$0x3FDB];
	s0 =	simm.s32 @p2 $0x1  }
0x17: {  	s4 =	simm.s32 $0x1BF5;
	[smem:$0x3FBB] =	sst s0  }
0x18: {  	s0 =	sld [smem:$0x3F9E];
	_ =	swait.ge [sflag:s4], $0x0  }
0x19: {  	s7 =	sld [smem:$0x3F9F]  }
0x1a: {  	s8 =	sadd.s32 $0xFFFFE003, lr  }
0x1b: {  	s9 =	sadd.s32 $0xFFFFFEF7, lr;
	s5 =	simm.s32 $0xFFFFFFFF;
	p2 =	slt.u32 s8, $0xFFFFF086  }
0x1c: {  	p1 =	slt.u32 s9, $0xF7A;
	s5 =	simm.s32 @!p2 $0x0  }
0x1d: {  	s5 =	simm.s32 @p1 $0x1;
	p0 =	seq.s32 s7, s2  }
0x1e: {  	s7 =	smul.u32 @!p0 $0xF7A, s2;
	p2 =	seq.s32 @!p0 s5, $0x0  }
0x1f: {  	s9 =	smul.u32 $0xF7A, s1;
	s8 =	simm.s32 @!p0 $0x1BF5;
	p2 =	por !p2, p0  }
0x20: {  	[sflag:s8] =	ssyncset.s32 @!p0 $0xFFFFF086;
	s6 =	sadd.s32 @!p0 s3, s7;
	s7 =	simm.s32 @!p0 $0x108  }
0x21: {  	s3 =	sadd.s32 s3, s9;
	s6 =	sadd.s32 @!p0 $0x88, s6;
	s7 =	simm.s32 @p2 $0x1082  }
0x22: {  	[simem:s7], [sflag:s8] =	dma.local @!p0 [hbm:s6], $0xF7A  }
0x23: {  	s9 =	sor.u32 $0xD0000000, s2;
	s6 =	simm.s32 $0x108;
	_ =	swait.ge @!p0 [sflag:s8], $0x0  }
0x24: {  	s3 =	sadd.s32 $0x88, s3;
	s6 =	simm.s32 @!p1 $0x1082;
	[sflag:s4] =	ssyncset.s32 $0xFFFFF086  }
0x25: {  	[simem:s6], [sflag:s4] =	dma.local [hbm:s3], $0xF7A  }
0x26: {  	[smem:$0x3F9F] =	sst s1;
	(tag) =	ssettag s2;
	_ =	strace s9  }
0x27: {  	s1 =	sld [smem:$0x3FAF]  }
0x28: {  	s2 =	sld [smem:$0x3FB0]  }
0x29: {  	s4 =	sld [smem:$0x3FB2]  }
0x2a: {  	p0 =	seq.s32 s5, $0x0;
	s5 =	sld [smem:$0x3FB3]  }
0x2b: {  	s6 =	sld [smem:$0x3FB4]  }
0x2c: {  	s7 =	sld [smem:$0x3FB5]  }
0x2d: {  	s3 =	simm.s32 $0x108;
	s8 =	sld [smem:$0x3FB6]  }
0x2e: {  	s3 =	simm.s32 @!p0 $0x1082;
	s9 =	sld [smem:$0x3FB7]  }
0x2f: {  	lr =	sadd.s32 s0, s3;
	s0 =	sld [smem:$0x3FAE]  }
0x30: {  	s3 =	sld [smem:$0x3FB1]  }
0x31: {  	[smem:$0x3FBA] =	sst s10  }
0x32: {  	s10 =	sld [smem:$0x3FB8];
	_ =	sdelay $0x3  }
0x33: {  	p0 =	seq.s32 s10, $0x1;
	s10 =	sld [smem:$0x3FBA];
	_ =	sdelay $0x3  }
0x34: {  	[smem:$0x3FBA] =	sst s10  }
0x35: {  	s10 =	sld [smem:$0x3FB9];
	_ =	sdelay $0x3  }
0x36: {  	p1 =	seq.s32 s10, $0x1;
	s10 =	sld [smem:$0x3FBA];
	_ =	sdelay $0x3  }
0x37: {  	[smem:$0x3FBA] =	sst s10  }
0x38: {  	s10 =	sld [smem:$0x3FBB]  }
0x39: {  	_ = 	snop;
	(pc) =	sbr.ind lr, $3  }
0x3a: {  	_ = 	snop  }
0x3b: {  	_ = 	snop  }
0x3c: {  	p2 =	seq.s32 s10, $0x1;
	s10 =	sld [smem:$0x3FBA]  }
0x3d: {  	_ =	shalt  }
0x3e: {  	_ =	shalt  }
0x3f: {  	_ =	shalt  }
0x40: {  	_ =	shalt  }
0x41: {  	_ =	shalt  }
0x42: {  	_ =	shalt  }
0x43: {  	_ =	shalt  }
0x44: {  	_ =	shalt  }
0x45: {  	_ =	shalt  }
0x46: {  	_ =	shalt  }
0x47: {  	_ =	shalt  }
0x48: {  	_ =	shalt  }
0x49: {  	_ =	shalt  }
0x4a: {  	_ =	shalt  }
0x4b: {  	_ =	shalt  }
0x4c: {  	_ =	shalt  }
0x4d: {  	_ =	shalt  }
0x4e: {  	_ =	shalt  }
0x4f: {  	_ =	shalt  }
0x50: {  	_ =	shalt  }
0x51: {  	_ =	shalt  }
0x52: {  	_ =	shalt  }
0x53: {  	_ =	shalt  }
0x54: {  	_ =	shalt  }
0x55: {  	_ =	shalt  }
0x56: {  	_ =	shalt  }
0x57: {  	_ =	shalt  }
0x58: {  	_ =	shalt  }
0x59: {  	_ =	shalt  }
0x5a: {  	_ =	shalt  }
0x5b: {  	_ =	shalt  }
0x5c: {  	_ =	shalt  }
0x5d: {  	_ =	shalt  }
0x5e: {  	_ =	shalt  }
0x5f: {  	_ =	shalt  }
0x60: {  	_ =	shalt  }
0x61: {  	_ =	shalt  }
0x62: {  	_ =	shalt  }
0x63: {  	_ =	shalt  }
0x64: {  	_ =	shalt  }
0x65: {  	_ =	shalt  }
0x66: {  	_ =	shalt  }
0x67: {  	_ =	shalt  }
0x68: {  	_ =	shalt  }
0x69: {  	_ =	shalt  }
0x6a: {  	_ =	shalt  }
0x6b: {  	_ =	shalt  }
0x6c: {  	_ =	shalt  }
0x6d: {  	_ =	shalt  }
0x6e: {  	_ =	shalt  }
0x6f: {  	_ =	shalt  }
0x70: {  	_ =	shalt  }
0x71: {  	_ =	shalt  }
0x72: {  	_ =	shalt  }
0x73: {  	_ =	shalt  }
0x74: {  	_ =	shalt  }
0x75: {  	_ =	shalt  }
0x76: {  	_ =	shalt  }
0x77: {  	_ =	shalt  }
0x78: {  	_ =	shalt  }
0x79: {  	_ =	shalt  }
0x7a: {  	_ =	shalt  }
0x7b: {  	_ =	shalt  }
0x7c: {  	_ =	shalt  }
0x7d: {  	_ =	shalt  }
0x7e: {  	_ =	shalt  }
0x7f: {  	_ =	shalt  }
0x80: {  	_ =	shalt  }
0x81: {  	_ =	shalt  }
0x82: {  	_ =	shalt  }
0x83: {  	_ =	shalt  }
0x84: {  	_ =	shalt  }
0x85: {  	_ =	shalt  }
0x86: {  	_ =	shalt  }
0x87: {  	_ =	shalt  }
.Lfunc_end0:
.L_simem_size_0:
called_computation_lowered:
.L_overlay_start_0:
0x88: {  	s2 =	sld [smem:$0x3FD9]  }
0x89: {  	s3 =	sld [smem:$0x3FFE];
	_ =	sdelay $0x1  }
0x8a: {  	s1 =	srdreg.scid  }
0x8b: {  	s0 =	sand.u32 $0x1, s1  }
0x8c: {  	s18 =	sshll.u32 s0, $0xA;
	s2 =	sadd.s32 s3, s2  }
0x8d: {  	s2 =	sadd.s32 s2, s18  }
0x8e: {  	[smem:$0x3FC6] =	sst s2  }
0x8f: {  	_ = 	snop  }
0x90: {  	s2 =	sld [smem:$0x3FC9]  }
0x91: {  	s19 =	sld [smem:$0x3FC8]  }
0x92: {  	s4 =	sld [smem:$0x3FD0];
	(tm) =	ssettm $0x1  }
0x93: {  	s5 =	sld [smem:$0x3FFB];
	_ =	sdelay $0x3  }
0x94: {  	_ =	strace s5  }
0x95: {  	s5 =	sld [smem:$0x3FFC];
	_ =	sdelay $0x3  }
0x96: {  	_ =	strace s5  }
0x97: {  	s5 =	sld [smem:$0x3FFD];
	_ =	sdelay $0x3  }
0x98: {  	_ =	strace s5  }
0x99: {  	_ =	strace $0x8FFFFFFF  }
0x9a: {  	s20 =	sld [smem:$0x3FDB];
	_ =	sdelay $0x1  }
0x9b: {  	s6 =	simm.s32 $_scs_section_size  }
0x9c: {  	s7 =	simm.s32 $_size__tile_overlayer_lowered;
	s8 =	simm.s32 $_tile_overlayer_lowered  }
0x9d: {  	s23 =	simm.s32 $0x1BFF;
	s22 =	sshll.u32 s8, $0x1;
	s5 =	sadd.s32 s6, s20  }
0x9e: {  	s9 =	simm.s32 $0x0;
	s21 =	sshll.u32 s7, $0x1;
	s7 =	sadd.s32 s22, s5  }
0x9f: {  	[timem:s9], [sflag:s23] =	dma.local [hbm:s7], s21  }
0xa0: {  	_ =	swait.ge [sflag:s23], s21  }
0xa1: {  	s6 =	ssub.s32 $0x0, s21;
	[sflag:s23] =	ssyncset.done $0x0  }
0xa2: {  	[sflag:s23] =	ssyncadd.s32 s6;
	_ =	sdelay $0x1  }
0xa3: {  	s24 =	simm.s32 $0x1B8B  }
0xa4: {  	_ =	swait.ge [sflag:s24], $0x1  }
0xa5: {  	[sflag:s24] =	ssyncset.done $0x0  }
0xa6: {  	s25 =	simm.s32 $0x1B8E;
	[sflag:s24] =	ssyncadd.s32 $0xFFFFFFFF  }
0xa7: {  	s26 =	simm.s32 $execute0_lowered;
	[smem:$0x3FD2] =	sst s25  }
0xa8: {  	s6 =	sshll.u32 s26, $0x1;
	_ =	strace $0x80000046;
	[dreg:$0x1] =	wrdreg $0xFFFFFFFF  }
0xa9: {  	s28 =	simm.s32 $_size_execute0_lowered;
	s5 =	sadd.s32 s5, s6;
	[dreg:$0x0] =	wrdreg $0x0  }
0xaa: {  	s6 =	sshll.u32 s28, $0x1;
	[dreg:$0x2] =	wrdreg s5  }
0xab: {  	[dreg:$0x3] =	wrdreg s6  }
0xac: {  	[dreg:$0x4] =	wrdreg $0xC0  }
0xad: {  	_ =	task [dreg:s9], $0x5FFFF  }
0xae: {  	[dreg:$0x1] =	wrdreg $0xFFFFFFFF  }
0xaf: {  	[dreg:$0x0] =	wrdreg $0x60  }
0xb0: {  	[dreg:$0x2] =	wrdreg s2  }
0xb1: {  	[dreg:$0x3] =	wrdreg s19  }
0xb2: {  	[dreg:$0x4] =	wrdreg s4  }
0xb3: {  	[dreg:$0x5] =	wrdreg $0x9  }
0xb4: {  	_ =	task.clear_ibuf [dreg:s9], $0x6FFFF;
	_ =	strace $0x90000046  }
0xb5: {  	s29 =	simm.s32 $0x9;
	_ =	strace $0x80000048  }
0xb6: {  	_ =	swait.ge [sflag:s29], $0x1  }
0xb7: {  	[sflag:s29] =	ssyncadd.s32 $0xFFFFFFFF  }
0xb8: {  	_ =	strace $0x90000048  }
0xb9: {  	_ =	sfence  }
0xba: {  	s30 =	sld [smem:$0x0];
	_ =	sdelay $0x2  }
0xbb: {  	s31 =	sshll.u32 s1, $0xD;
	s1 =	sshrl.u32 s1, $0x2  }
0xbc: {  	s3 =	sand.u32 $0x4000, s31;
	s1 =	sadd.s32 s1, s30  }
0xbd: {  	s0 =	sor.u32 s3, s0;
	s1 =	sshll.u32 s1, $0x11  }
0xbe: {  	s0 =	sor.u32 s1, s0  }
0xbf: {  	s0 =	sadd.s32 $0x8F2B, s0  }
0xc0: {  	[sflag:s0] =	ssyncadd.remote.s32 $0x1  }
0xc1: {  	_ =	sfence.sel $0xFFFF  }
0xc2: {  	[dreg:$0x0] =	wrdreg $0xFFFFFFFF;
	(pc) =	sbr.abs _section_cstart, $3  }
0xc3: {  	[dreg:$0x1] =	wrdreg $0xFFFFFFFF  }
0xc4: {  	_ =	task.clear_ibuf [dreg:s9], $0x2FFFF;
	_ =	strace $0x9FFFFFFF  }
0xc5: {  	(tm) =	ssettm $0x7FFFFFFF  }
tec
execute0_lowered:
.L_overlay_start_1:
0x0: {  	(tag) =	ssettag $0x1  }
0x1: {  	s0 =	rddreg [dreg:$0x0]  }
0x2: {  	s2 =	rddreg [dreg:$0x1]  }
0x3: {  	s1 =	rddreg [dreg:$0x2]  }
0x4: {  	s3 =	srdreg.scid;
	s8 =	stileid.u32;
	s16 =	simm.s32 $0x1800  }
0x5: {  	s17 =	simm.s32 $0x9;
	s18 =	simm.s32 $0x80;
	s19 =	simm.s32 $0x1C00  }
0x6: {  	s20 =	simm.s32 $0x5C00;
	s21 =	simm.s32 $0x1;
	s22 =	simm.s32 $0x2  }
0x7: {  	s28 =	simm.s32 $0x3;
	s29 =	simm.s32 $0x4;
	s30 =	simm.s32 $0x5  }
0x8: {  	s31 =	simm.s32 $0x6;
	s15 =	simm.s32 $0x0;
	s9 =	sand.u32 $0x1, s3  }
0x9: {  	s3 =	simm.s32 $0x0;
	s4 =	sshll.u32 s8, $0x8;
	s25 =	sshll.u32 s8, $0xC  }
0xa: {  	s5 =	sshll.u32 s9, $0x7;
	[smem:$0x7FF] =	sst s3;
	s6 =	ssub.s32 $0x2, s9  }
0xb: {  	s26 =	sshll.u32 s9, $0xB;
	s4 =	sor.u32 s5, s4;
	_ =	strace $0x80000047  }
0xc: {  	s23 =	sshrl.u32 s6, $0x1;
	s7 =	sshll.u32 s4, $0x4;
	s4 =	sadd.s32 s0, s4  }
0xd: {  	s12 =	ssub.s32 s6, s23;
	s5 =	sadd.s32 s1, s7;
	s0 =	sadd.s32 $0x6000, s4  }
0xe: {  	s12 =	smax.u32 s12, $0x1;
	[dreg:$0x4] =	wrdreg s0;
	s24 =	sadd.s32 $0x10000, s5  }
0xf: {  	s8 =	sadd.s32 $0x2E0000, s5;
	s0 =	sadd.s32 s25, s1;
	s9 =	sadd.s32 $0x2F0000, s5  }
0x10: {  	s10 =	sadd.s32 $0x300000, s5;
	s11 =	sadd.s32 $0x310000, s5;
	s1 =	simm.s32 $0x8  }
0x11: {  	[dreg:$0x5] =	wrdreg s24;
	s0 =	sadd.s32 s26, s0;
	s24 =	simm.s32 $0x9C00  }
0x12: {  	s26 =	simm.s32 $0xDC00;
	s14 =	sadd.s32 $0x50000, s0;
	s0 =	simm.s32 $0x7  }
.LBB2_1:
0x13: {  	s6 =	simm.s32 $0x400;
	s7 =	simm.s32 $0x8000  }
0x14: {  	[tilespmem:s3], [sflag:$0x9] =	stream.strided.gather [hbm4b:s4+s6], $0x1800, s7, s6, $0x38;
	[tilespmem:$0x11C00] =	vst v63  }
0x15: {  	s23 =	rddreg [dreg:$0x4]  }
0x16: {  	[tilespmem:s16], [sflag:$0x9] =	stream.linear.gather [hbm4b:s23+s3], $0x100, $0x38;
	[tilespmem:$0x11C00] =	vst v63  }
0x17: {  	_ =	swait.ge [sflag:s17], $0x1900  }
0x18: {  	[sflag:s17] =	ssyncset.done $0x0  }
0x19: {  	[sflag:s17] =	ssyncadd.s32 $0xFFFFE700  }
0x1a: {  	[tilespmem:s19], [sflag:$0x1] =	stream.indirect.gather [hbm4b:s2+s18], $0x80, s3, s18, $0xb8;
	[tilespmem:$0x11C00] =	vst v63  }
0x1b: {  	_ = 	snop  }
0x1c: {  	[tilespmem:s20], [sflag:$0x2] =	stream.indirect.gather [hbm4b:s2+s18], $0x80, s18, s18, $0xb8;
	[tilespmem:$0x11C00] =	vst v63  }
0x1d: {  	_ =	swait.ge [sflag:s21], $0x4000  }
0x1e: {  	[sflag:s21] =	ssyncset.done $0x0  }
0x1f: {  	[sflag:s21] =	ssyncadd.s32 $0xFFFFC000  }
0x20: {  	_ =	swait.ge [sflag:s22], $0x4000  }
0x21: {  	[sflag:s22] =	ssyncset.done $0x0  }
0x22: {  	s25 =	simm.s32 $0x100;
	[sflag:s22] =	ssyncadd.s32 $0xFFFFC000  }
0x23: {  	[tilespmem:s24], [sflag:$0x3] =	stream.indirect.gather [hbm4b:s2+s18], $0x80, s25, s18, $0xb8;
	[tilespmem:$0x11C00] =	vst v63  }
0x24: {  	s7 =	simm.s32 $0x180  }
0x25: {  	[tilespmem:s26], [sflag:$0x4] =	stream.indirect.gather [hbm4b:s2+s18], $0x80, s7, s18, $0xb8;
	[tilespmem:$0x11C00] =	vst v63  }
0x26: {  	_ = 	snop  }
0x27: {  	[hbm4b:s5+s3] =	stream.linear.scatter [tilespmem:s19], [sflag:$0x5], $0x4000, $0x38;
	[tilespmem:$0x11C00] =	vst v63  }
0x28: {  	s13 =	rddreg [dreg:$0x5]  }
0x29: {  	[hbm4b:s13+s3] =	stream.linear.scatter [tilespmem:s20], [sflag:$0x6], $0x4000, $0x38;
	[tilespmem:$0x11C00] =	vst v63  }
0x2a: {  	_ =	swait.ge [sflag:s28], $0x4000  }
0x2b: {  	[sflag:s28] =	ssyncset.done $0x0  }
0x2c: {  	[sflag:s28] =	ssyncadd.s32 $0xFFFFC000  }
0x2d: {  	_ =	swait.ge [sflag:s29], $0x4000  }
0x2e: {  	[sflag:s29] =	ssyncset.done $0x0  }
0x2f: {  	[sflag:s29] =	ssyncadd.s32 $0xFFFFC000  }
0x30: {  	_ =	swait.ge [sflag:s30], $0x4000  }
0x31: {  	[sflag:s30] =	ssyncset.done $0x0  }
0x32: {  	[sflag:s30] =	ssyncadd.s32 $0xFFFFC000  }
0x33: {  	_ =	swait.ge [sflag:s31], $0x4000  }
0x34: {  	[sflag:s31] =	ssyncset.done $0x0  }
0x35: {  	s13 =	simm.s32 $0x200;
	[sflag:s31] =	ssyncadd.s32 $0xFFFFC000  }
0x36: {  	[tilespmem:s19], [sflag:$0x1] =	stream.indirect.gather [hbm4b:s2+s18], $0x80, s13, s18, $0xb8;
	[tilespmem:$0x11C00] =	vst v63  }
0x37: {  	s23 =	simm.s32 $0x280  }
0x38: {  	[tilespmem:s20], [sflag:$0x2] =	stream.indirect.gather [hbm4b:s2+s18], $0x80, s23, s18, $0xb8;
	[tilespmem:$0x11C00] =	vst v63  }
0x39: {  	s25 =	sadd.s32 $0xFFFD0000, s14  }
0x3a: {  	[hbm4b:s25+s3] =	stream.linear.scatter [tilespmem:s24], [sflag:$0x7], $0x4000, $0x38;
	[tilespmem:$0x11C00] =	vst v63  }
0x3b: {  	s6 =	sadd.s32 $0xFFFE0000, s14  }
0x3c: {  	[hbm4b:s6+s3] =	stream.linear.scatter [tilespmem:s26], [sflag:$0x8], $0x4000, $0x38;
	[tilespmem:$0x11C00] =	vst v63  }
0x3d: {  	_ =	swait.ge [sflag:s21], $0x4000  }
0x3e: {  	[sflag:s21] =	ssyncset.done $0x0  }
0x3f: {  	[sflag:s21] =	ssyncadd.s32 $0xFFFFC000  }
0x40: {  	_ =	swait.ge [sflag:s22], $0x4000  }
0x41: {  	[sflag:s22] =	ssyncset.done $0x0  }
0x42: {  	[sflag:s22] =	ssyncadd.s32 $0xFFFFC000  }
0x43: {  	_ =	swait.ge [sflag:s0], $0x4000  }
0x44: {  	[sflag:s0] =	ssyncset.done $0x0  }
0x45: {  	[sflag:s0] =	ssyncadd.s32 $0xFFFFC000  }
0x46: {  	_ =	swait.ge [sflag:s1], $0x4000  }
0x47: {  	[sflag:s1] =	ssyncset.done $0x0  }
0x48: {  	s7 =	simm.s32 $0x300;
	[sflag:s1] =	ssyncadd.s32 $0xFFFFC000  }
0x49: {  	[tilespmem:s24], [sflag:$0x3] =	stream.indirect.gather [hbm4b:s2+s18], $0x80, s7, s18, $0xb8;
	[tilespmem:$0x11C00] =	vst v63  }
0x4a: {  	s23 =	simm.s32 $0x380  }
0x4b: {  	[tilespmem:s26], [sflag:$0x4] =	stream.indirect.gather [hbm4b:s2+s18], $0x80, s23, s18, $0xb8;
	[tilespmem:$0x11C00] =	vst v63  }
0x4c: {  	s25 =	sadd.s32 $0xFFFF0000, s14  }
0x4d: {  	[hbm4b:s25+s3] =	stream.linear.scatter [tilespmem:s19], [sflag:$0x5], $0x4000, $0x38;
	[tilespmem:$0x11C00] =	vst v63  }
0x4e: {  	s13 =	smov.u32 s14;
	s23 =	simm.s32 $0x800;
	s25 =	sadd.s32 $0x40000, s14  }
.LBB2_2:
0x4f: {  	[hbm4b:s13+s3] =	stream.linear.scatter [tilespmem:s20], [sflag:$0x6], $0x4000, $0x38;
	[tilespmem:$0x11C00] =	vst v63  }
0x50: {  	s6 =	smov.u32 s23;
	s13 =	smov.u32 s25  }
0x51: {  	p0 =	sne.s32 s23, $0x5000;
	s23 =	sadd.s32 $0x800, s23;
	_ =	swait.ge [sflag:s28], $0x4000  }
0x52: {  	[sflag:s28] =	ssyncset.done $0x0  }
0x53: {  	[sflag:s28] =	ssyncadd.s32 $0xFFFFC000  }
0x54: {  	_ =	swait.ge [sflag:s29], $0x4000  }
0x55: {  	[sflag:s29] =	ssyncset.done $0x0  }
0x56: {  	[sflag:s29] =	ssyncadd.s32 $0xFFFFC000  }
0x57: {  	_ =	swait.ge [sflag:s30], $0x4000  }
0x58: {  	[sflag:s30] =	ssyncset.done $0x0  }
0x59: {  	[sflag:s30] =	ssyncadd.s32 $0xFFFFC000  }
0x5a: {  	_ =	swait.ge [sflag:s31], $0x4000  }
0x5b: {  	s6 =	sshra.s32 s6, $0x2;
	[sflag:s31] =	ssyncset.done $0x0  }
0x5c: {  	s7 =	sadd.s32 $0x200, s6;
	[sflag:s31] =	ssyncadd.s32 $0xFFFFC000  }
0x5d: {  	[tilespmem:s19], [sflag:$0x1] =	stream.indirect.gather [hbm4b:s2+s18], $0x80, s7, s18, $0xb8;
	[tilespmem:$0x11C00] =	vst v63  }
0x5e: {  	s7 =	sadd.s32 $0x280, s6  }
0x5f: {  	[tilespmem:s20], [sflag:$0x2] =	stream.indirect.gather [hbm4b:s2+s18], $0x80, s7, s18, $0xb8;
	[tilespmem:$0x11C00] =	vst v63  }
0x60: {  	s7 =	sadd.s32 $0xFFFD0000, s25  }
0x61: {  	[hbm4b:s7+s3] =	stream.linear.scatter [tilespmem:s24], [sflag:$0x7], $0x4000, $0x38;
	[tilespmem:$0x11C00] =	vst v63  }
0x62: {  	s7 =	sadd.s32 $0xFFFE0000, s25  }
0x63: {  	[hbm4b:s7+s3] =	stream.linear.scatter [tilespmem:s26], [sflag:$0x8], $0x4000, $0x38;
	[tilespmem:$0x11C00] =	vst v63  }
0x64: {  	_ =	swait.ge [sflag:s21], $0x4000  }
0x65: {  	[sflag:s21] =	ssyncset.done $0x0  }
0x66: {  	[sflag:s21] =	ssyncadd.s32 $0xFFFFC000  }
0x67: {  	_ =	swait.ge [sflag:s22], $0x4000  }
0x68: {  	[sflag:s22] =	ssyncset.done $0x0  }
0x69: {  	[sflag:s22] =	ssyncadd.s32 $0xFFFFC000  }
0x6a: {  	_ =	swait.ge [sflag:s0], $0x4000  }
0x6b: {  	[sflag:s0] =	ssyncset.done $0x0  }
0x6c: {  	[sflag:s0] =	ssyncadd.s32 $0xFFFFC000  }
0x6d: {  	_ =	swait.ge [sflag:s1], $0x4000  }
0x6e: {  	[sflag:s1] =	ssyncset.done $0x0  }
0x6f: {  	s7 =	sadd.s32 $0x300, s6;
	[sflag:s1] =	ssyncadd.s32 $0xFFFFC000  }
0x70: {  	[tilespmem:s24], [sflag:$0x3] =	stream.indirect.gather [hbm4b:s2+s18], $0x80, s7, s18, $0xb8;
	[tilespmem:$0x11C00] =	vst v63  }
.Ltmp0:
0x71: {  	s6 =	sadd.s32 $0x380, s6;
	(pc) =	sbr.rel @p0 .LBB2_2-.Ltmp0, $4  }
0x72: {  	[tilespmem:s26], [sflag:$0x4] =	stream.indirect.gather [hbm4b:s2+s18], $0x80, s6, s18, $0xb8;
	[tilespmem:$0x11C00] =	vst v63  }
0x73: {  	s6 =	sadd.s32 $0xFFFF0000, s25  }
0x74: {  	[hbm4b:s6+s3] =	stream.linear.scatter [tilespmem:s19], [sflag:$0x5], $0x4000, $0x38;
	[tilespmem:$0x11C00] =	vst v63  }
0x75: {  	s25 =	sadd.s32 $0x40000, s25  }
0x76: {  	[hbm4b:s13+s3] =	stream.linear.scatter [tilespmem:s20], [sflag:$0x6], $0x4000, $0x38;
	[tilespmem:$0x11C00] =	vst v63  }
0x77: {  	_ =	swait.ge [sflag:s28], $0x4000  }
0x78: {  	[sflag:s28] =	ssyncset.done $0x0  }
0x79: {  	[sflag:s28] =	ssyncadd.s32 $0xFFFFC000  }
0x7a: {  	_ =	swait.ge [sflag:s29], $0x4000  }
0x7b: {  	[sflag:s29] =	ssyncset.done $0x0  }
0x7c: {  	[sflag:s29] =	ssyncadd.s32 $0xFFFFC000  }
0x7d: {  	_ =	swait.ge [sflag:s30], $0x4000  }
0x7e: {  	[sflag:s30] =	ssyncset.done $0x0  }
0x7f: {  	[sflag:s30] =	ssyncadd.s32 $0xFFFFC000  }
0x80: {  	_ =	swait.ge [sflag:s31], $0x4000  }
0x81: {  	[sflag:s31] =	ssyncset.done $0x0  }
0x82: {  	[sflag:s31] =	ssyncadd.s32 $0xFFFFC000  }
0x83: {  	[tilespmem:s19], [sflag:$0x1] =	stream.indirect.gather [hbm4b:s2+s18], $0x80, s16, s18, $0xb8;
	[tilespmem:$0x11C00] =	vst v63  }
0x84: {  	s6 =	simm.s32 $0x1880  }
0x85: {  	[tilespmem:s20], [sflag:$0x2] =	stream.indirect.gather [hbm4b:s2+s18], $0x80, s6, s18, $0xb8;
	[tilespmem:$0x11C00] =	vst v63  }
0x86: {  	_ = 	snop  }
0x87: {  	[hbm4b:s8+s3] =	stream.linear.scatter [tilespmem:s24], [sflag:$0x7], $0x4000, $0x38;
	[tilespmem:$0x11C00] =	vst v63  }
0x88: {  	_ = 	snop  }
0x89: {  	[hbm4b:s9+s3] =	stream.linear.scatter [tilespmem:s26], [sflag:$0x8], $0x4000, $0x38;
	[tilespmem:$0x11C00] =	vst v63  }
0x8a: {  	_ =	swait.ge [sflag:s21], $0x4000  }
0x8b: {  	[sflag:s21] =	ssyncset.done $0x0  }
0x8c: {  	[sflag:s21] =	ssyncadd.s32 $0xFFFFC000  }
0x8d: {  	_ =	swait.ge [sflag:s22], $0x4000  }
0x8e: {  	[sflag:s22] =	ssyncset.done $0x0  }
0x8f: {  	[sflag:s22] =	ssyncadd.s32 $0xFFFFC000  }
0x90: {  	_ =	swait.ge [sflag:s0], $0x4000  }
0x91: {  	[sflag:s0] =	ssyncset.done $0x0  }
0x92: {  	[sflag:s0] =	ssyncadd.s32 $0xFFFFC000  }
0x93: {  	_ =	swait.ge [sflag:s1], $0x4000  }
0x94: {  	[sflag:s1] =	ssyncset.done $0x0  }
0x95: {  	[sflag:s1] =	ssyncadd.s32 $0xFFFFC000  }
0x96: {  	[hbm4b:s10+s3] =	stream.linear.scatter [tilespmem:s19], [sflag:$0x5], $0x4000, $0x38;
	[tilespmem:$0x11C00] =	vst v63  }
0x97: {  	s15 =	sadd.s32 $0x1, s15  }
0x98: {  	[hbm4b:s11+s3] =	stream.linear.scatter [tilespmem:s20], [sflag:$0x6], $0x4000, $0x38;
	[tilespmem:$0x11C00] =	vst v63  }
0x99: {  	p0 =	sne.s32 s15, s12;
	_ =	swait.ge [sflag:s30], $0x4000  }
.Ltmp1:
0x9a: {  	[sflag:s30] =	ssyncset.done $0x0;
	(pc) =	sbr.rel @p0 .LBB2_1-.Ltmp1, $4  }
0x9b: {  	[sflag:s30] =	ssyncadd.s32 $0xFFFFC000  }
0x9c: {  	_ =	swait.ge [sflag:s31], $0x4000  }
0x9d: {  	[sflag:s31] =	ssyncset.done $0x0  }
0x9e: {  	[sflag:s31] =	ssyncadd.s32 $0xFFFFC000  }
0x9f: {  	_ =	sfence.sel $0x180000  }
0xa0: {  	[bflag:$0x0] =	sbarrier.arrive $0xFFFF  }
0xa1: {  	_ =	strace $0x90000047  }
0xa2: {  	s0 =	stileid.u32;
	[bflag:$0x2] =	sbarrier.arrive $0xFFFF  }
0xa3: {  	p0 =	sne.s32 s0, $0x0;
	s0 =	rddreg [dreg:$0x3]  }
0xa4: {  	s0 =	sadd.s32 @!p0 $0x100000, s0  }
0xa5: {  	[sflag:s0] =	ssyncadd.tile.s32 @!p0 $0x1;
	_ =	shalt  }
.Lfunc_end2:
_tile_overlayer_lowered:
.L_overlay_start_2:
0xa6: {  	(tag) =	ssettag $0x2  }
0xa7: {  	s0 =	rddreg [dreg:$0x0];
	s2 =	stileid.u32  }
0xa8: {  	s1 =	rddreg [dreg:$0x1];
	p0 =	sne.s32 s2, $0x0  }
0xa9: {  	s3 =	rddreg [dreg:$0x2];
	[bflag:$0x3] =	sbarrier.arrive $0xFFFF;
	s2 =	simm.s32 @!p0 $0x1C09  }
0xaa: {  	[timem:s3], [sflag:s2] =	dma.local @!p0 [hbm:s0], s1  }
0xab: {  	s0 =	simm.s32 @!p0 $0x9  }
0xac: {  	_ =	swait.ge @!p0 [sflag:s0], s1  }
0xad: {  	s1 =	ssub.s32 @!p0 $0x0, s1;
	[sflag:s0] =	ssyncset.done @!p0 $0x0  }
0xae: {  	[sflag:s0] =	ssyncadd.s32 @!p0 s1  }
0xaf: {  	[bflag:$0x3] =	sbarrier.arrive $0xFFFF  }
0xb0: {  	_ =	shalt  }

</sc_bundles>
